<compile_context>
chip_gen: v7x
topology: tpu7x:2x2x1
jax: 0.10.2.dev20260603
libtpu: 0.0.44.dev20260713+nightly
codegen_flags: <defaults>
</compile_context>

<pallas_src>
import functools

import jax
import jax.numpy as jnp
from jax import lax
from jax.experimental import pallas as pl
from jax.experimental.pallas import tpu as pltpu
from jax.experimental.pallas import tpu_sc as plsc

_STRIDE = 1000
_D = 64
_B = 16384
_NC = 2
_NS = 16
_NW = _NC * _NS
_BPW = _B // _NW
_L = 16


def _make_gather():
    mesh = plsc.VectorSubcoreMesh(core_axis_name="c", subcore_axis_name="s")

    @functools.partial(
        pl.kernel,
        mesh=mesh,
        out_type=jax.ShapeDtypeStruct((_B, _D), jnp.float32),
        scratch_types=[
            pltpu.VMEM((_BPW,), jnp.int32),
            pltpu.VMEM((_BPW,), jnp.int32),
            pltpu.VMEM((_BPW, _D), jnp.float32),
            pltpu.SemaphoreType.DMA,
        ],
    )
    def gather(x1_hbm, x2_hbm, w_hbm, out_hbm, x1_v, x2_v, rows_v, sem):
        wid = lax.axis_index("s") * _NC + lax.axis_index("c")
        base = wid * _BPW
        pltpu.sync_copy(x1_hbm.at[pl.ds(base, _BPW)], x1_v)
        pltpu.sync_copy(x2_hbm.at[pl.ds(base, _BPW)], x2_v)

        def fire(m, carry):
            a = x1_v[pl.ds(m * _L, _L)]
            b = x2_v[pl.ds(m * _L, _L)]
            fused = a * _STRIDE + b
            for l in range(_L):
                s = lax.squeeze(lax.slice(fused, (l,), (l + 1,)), (0,))
                pltpu.async_copy(w_hbm.at[s], rows_v.at[m * _L + l], sem)
            return carry

        def wait_group(m, carry):
            for _ in range(_L):
                pltpu.make_async_copy(w_hbm.at[0], rows_v.at[0], sem).wait()
            return carry

        _K = 8
        n_groups = _BPW // _L
        lax.fori_loop(0, _K, fire, 0)

        def step(m, carry):
            fire(m, carry)
            return wait_group(m, carry)

        lax.fori_loop(_K, n_groups, step, 0)
        lax.fori_loop(0, _K, wait_group, 0)
        pltpu.sync_copy(rows_v, out_hbm.at[pl.ds(base, _BPW)])

    return gather


_gather = _make_gather()


@jax.jit
def kernel(x1, x2, weights):
    out = _gather(x1.astype(jnp.int32), x2.astype(jnp.int32), weights)
    return out.reshape(_B, _D)

# --- scband reference (transcript-rebuilt; emitter-appended) ---
"""Pipeline reference for scband-positional2-dweight-10290741641955 (READ-ONLY COPY).

The authoritative reference and input builder live on the scoring server;
editing this copy changes nothing except your own understanding.
"""

import jax, jax.numpy as jnp
import numpy as np

MAX_POS1 = 999
MAX_POS2 = 999
DIM_IN = 8
DIM_OUT = 8
BATCH = 16384

def setup_inputs(seed: int = 0) -> dict:
    key = jax.random.key(seed)
    k1, k2, k3 = jax.random.split(key, 3)
    x1 = jax.random.randint(k1, (BATCH,), 0, MAX_POS1 + 1)
    x2 = jax.random.randint(k2, (BATCH,), 0, MAX_POS2 + 1)
    # learned parameter: ((max_pos1+1)*(max_pos2+1), dim_in*dim_out)
    stdv = 1.0 / np.sqrt(DIM_OUT)
    weights = jax.random.uniform(
        k3,
        ((MAX_POS1 + 1) * (MAX_POS2 + 1), DIM_IN * DIM_OUT),
        minval=-stdv, maxval=stdv, dtype=jnp.float32,
    )
    return {"x1": x1, "x2": x2, "weights": weights}

def reference(x1, x2, weights):
    idx = x1 * (MAX_POS2 + 1) + x2
    out = jnp.take(weights, idx, axis=0)
    return out.reshape(x1.shape[0], -1)

if __name__ == "__main__":
    import jax
    _d = setup_inputs()
    print(jax.jit(kernel)(*tuple(_d.values())))

</pallas_src>

<mosaic_0001>
#map = affine_map<(d0, d1) -> (0)>
#map1 = affine_map<(d0, d1) -> (0, 0)>
module attributes {stable_mosaic.version = 14 : i64} {
  func.func @gather(%arg0: i32, %arg1: i32, %arg2: memref<16384xi32, #tpu.memory_space<hbm>>, %arg3: memref<16384xi32, #tpu.memory_space<hbm>>, %arg4: memref<1000000x64xf32, #tpu.memory_space<hbm>>, %arg5: memref<16384x64xf32, #tpu.memory_space<hbm>>, %arg6: memref<512xi32, #tpu.memory_space<vmem>>, %arg7: memref<512xi32, #tpu.memory_space<vmem>>, %arg8: memref<512x64xf32, #tpu.memory_space<vmem>>, %arg9: memref<!tpu.dma_semaphore, #tpu.memory_space<semaphore_mem>>) attributes {dimension_semantics = [#tpu.dimension_semantics<core_parallel>, #tpu.dimension_semantics<subcore_parallel>], iteration_bounds = array<i64: 2, 16>, scalar_prefetch = 0 : i64, scratch_operands = 4 : i64, tpu.core_type = #tpu.core_type<sc_vector_subcore>, window_params = [{transform_indices = #map}, {transform_indices = #map}, {transform_indices = #map1}, {transform_indices = #map1}]} {
    %mul3A = arith.constant 2 : i32
    %mul3A_0 = arith.muli %arg1, %mul3A : i32
    %add3A = arith.addi %mul3A_0, %arg0 : i32
    %mul3A_1 = arith.constant 512 : i32
    %mul3A_2 = arith.muli %add3A, %mul3A_1 : i32
    "tpu.region"() ({
      %run_scoped3A = tpu.sem_alloc : memref<!tpu.dma_semaphore, #tpu.memory_space<semaphore_mem>>
      %dma_start3A = tpu.memref_slice %arg2[%mul3A_2] : memref<16384xi32, #tpu.memory_space<hbm>> -> memref<512xi32, #tpu.memory_space<hbm>>
      %dma_start3A_20 = tpu.memref_slice %arg2[%mul3A_2] : memref<16384xi32, #tpu.memory_space<hbm>> -> memref<512xi32, #tpu.memory_space<hbm>>
      tpu.enqueue_dma source(%dma_start3A_20 : memref<512xi32, #tpu.memory_space<hbm>>) target(%arg6 : memref<512xi32, #tpu.memory_space<vmem>>) target_semaphore(%run_scoped3A : memref<!tpu.dma_semaphore, #tpu.memory_space<semaphore_mem>>)
      %dma_wait3A = tpu.memref_slice %arg2[%mul3A_2] : memref<16384xi32, #tpu.memory_space<hbm>> -> memref<512xi32, #tpu.memory_space<hbm>>
      %dma_wait3A_21 = tpu.memref_slice %arg2[%mul3A_2] : memref<16384xi32, #tpu.memory_space<hbm>> -> memref<512xi32, #tpu.memory_space<hbm>>
      tpu.wait_dma2 semaphore(%run_scoped3A : memref<!tpu.dma_semaphore, #tpu.memory_space<semaphore_mem>>) src(%dma_wait3A_21 : memref<512xi32, #tpu.memory_space<hbm>>) dst(%arg6 : memref<512xi32, #tpu.memory_space<vmem>>)
      tpu.yield
    }) : () -> ()
    "tpu.region"() ({
      %run_scoped3A = tpu.sem_alloc : memref<!tpu.dma_semaphore, #tpu.memory_space<semaphore_mem>>
      %dma_start3A = tpu.memref_slice %arg3[%mul3A_2] : memref<16384xi32, #tpu.memory_space<hbm>> -> memref<512xi32, #tpu.memory_space<hbm>>
      %dma_start3A_20 = tpu.memref_slice %arg3[%mul3A_2] : memref<16384xi32, #tpu.memory_space<hbm>> -> memref<512xi32, #tpu.memory_space<hbm>>
      tpu.enqueue_dma source(%dma_start3A_20 : memref<512xi32, #tpu.memory_space<hbm>>) target(%arg7 : memref<512xi32, #tpu.memory_space<vmem>>) target_semaphore(%run_scoped3A : memref<!tpu.dma_semaphore, #tpu.memory_space<semaphore_mem>>)
      %dma_wait3A = tpu.memref_slice %arg3[%mul3A_2] : memref<16384xi32, #tpu.memory_space<hbm>> -> memref<512xi32, #tpu.memory_space<hbm>>
      %dma_wait3A_21 = tpu.memref_slice %arg3[%mul3A_2] : memref<16384xi32, #tpu.memory_space<hbm>> -> memref<512xi32, #tpu.memory_space<hbm>>
      tpu.wait_dma2 semaphore(%run_scoped3A : memref<!tpu.dma_semaphore, #tpu.memory_space<semaphore_mem>>) src(%dma_wait3A_21 : memref<512xi32, #tpu.memory_space<hbm>>) dst(%arg7 : memref<512xi32, #tpu.memory_space<vmem>>)
      tpu.yield
    }) : () -> ()
    %scan3A = arith.constant 0 : i32
    %scan3A_3 = arith.constant 0 : i32
    %scan3A_4 = arith.constant 8 : i32
    %scan3A_5 = arith.addi %scan3A_3, %scan3A_4 : i32
    %scan3A_6 = arith.constant 1 : i32
    scf.for %scan3A_20 = %scan3A_3 to %scan3A_5 step %scan3A_6  : i32 {
      %mul3A_21 = arith.constant 16 : i32
      %mul3A_22 = arith.muli %scan3A_20, %mul3A_21 : i32
      %get3A = arith.index_cast %mul3A_22 : i32 to index
      %get3A_23 = tpu.vector_load %arg6[%get3A] {strides = array<i32>} : memref<512xi32, #tpu.memory_space<vmem>>, vector<16xi32>,
      %get3A_24 = vector.shape_cast %get3A_23 : vector<16xi32> to vector<16xi32>
      %mul3A_25 = arith.constant 16 : i32
      %mul3A_26 = arith.muli %scan3A_20, %mul3A_25 : i32
      %get3A_27 = arith.index_cast %mul3A_26 : i32 to index
      %get3A_28 = tpu.vector_load %arg7[%get3A_27] {strides = array<i32>} : memref<512xi32, #tpu.memory_space<vmem>>, vector<16xi32>,
      %get3A_29 = vector.shape_cast %get3A_28 : vector<16xi32> to vector<16xi32>
      %mul3A_30 = arith.constant 1000 : i32
      %mul3A_31 = vector.broadcast %mul3A_30 : i32 to vector<16xi32>
      %mul3A_32 = arith.muli %get3A_24, %mul3A_31 : vector<16xi32>
      %add3A_33 = arith.addi %mul3A_32, %get3A_29 : vector<16xi32>
      %slice3A = vector.extract_strided_slice %add3A_33 {offsets = [0], sizes = [1], strides = [1]} : vector<16xi32> to vector<1xi32>
      %squeeze3A = vector.extract %slice3A[0] : i32 from vector<1xi32>
      %mul3A_34 = arith.constant 16 : i32
      %mul3A_35 = arith.muli %scan3A_20, %mul3A_34 : i32
      %add3A_36 = arith.constant 0 : i32
      %add3A_37 = arith.addi %mul3A_35, %add3A_36 : i32
      %dma_start3A = arith.constant 0 : i32
      %dma_start3A_38 = tpu.memref_slice %arg8[%add3A_37, %dma_start3A] : memref<512x64xf32, #tpu.memory_space<vmem>> -> memref<1x64xf32, #tpu.memory_space<vmem>>
      %dma_start3A_39 = tpu.memref_squeeze %dma_start3A_38 : memref<1x64xf32, #tpu.memory_space<vmem>> -> memref<64xf32, #tpu.memory_space<vmem>>
      %dma_start3A_40 = arith.constant 0 : i32
      %dma_start3A_41 = tpu.memref_slice %arg4[%squeeze3A, %dma_start3A_40] : memref<1000000x64xf32, #tpu.memory_space<hbm>> -> memref<1x64xf32, #tpu.memory_space<hbm>>
      %dma_start3A_42 = tpu.memref_squeeze %dma_start3A_41 : memref<1x64xf32, #tpu.memory_space<hbm>> -> memref<64xf32, #tpu.memory_space<hbm>>
      %dma_start3A_43 = arith.constant 0 : i32
      %dma_start3A_44 = tpu.memref_slice %arg8[%add3A_37, %dma_start3A_43] : memref<512x64xf32, #tpu.memory_space<vmem>> -> memref<1x64xf32, #tpu.memory_space<vmem>>
      %dma_start3A_45 = tpu.memref_squeeze %dma_start3A_44 : memref<1x64xf32, #tpu.memory_space<vmem>> -> memref<64xf32, #tpu.memory_space<vmem>>
      %dma_start3A_46 = arith.constant 0 : i32
      %dma_start3A_47 = tpu.memref_slice %arg4[%squeeze3A, %dma_start3A_46] : memref<1000000x64xf32, #tpu.memory_space<hbm>> -> memref<1x64xf32, #tpu.memory_space<hbm>>
      %dma_start3A_48 = tpu.memref_squeeze %dma_start3A_47 : memref<1x64xf32, #tpu.memory_space<hbm>> -> memref<64xf32, #tpu.memory_space<hbm>>
      tpu.enqueue_dma source(%dma_start3A_48 : memref<64xf32, #tpu.memory_space<hbm>>) target(%dma_start3A_45 : memref<64xf32, #tpu.memory_space<vmem>>) target_semaphore(%arg9 : memref<!tpu.dma_semaphore, #tpu.memory_space<semaphore_mem>>)
      %slice3A_49 = vector.extract_strided_slice %add3A_33 {offsets = [1], sizes = [1], strides = [1]} : vector<16xi32> to vector<1xi32>
      %squeeze3A_50 = vector.extract %slice3A_49[0] : i32 from vector<1xi32>
      %mul3A_51 = arith.constant 16 : i32
      %mul3A_52 = arith.muli %scan3A_20, %mul3A_51 : i32
      %add3A_53 = arith.constant 1 : i32
      %add3A_54 = arith.addi %mul3A_52, %add3A_53 : i32
      %dma_start3A_55 = arith.constant 0 : i32
      %dma_start3A_56 = tpu.memref_slice %arg8[%add3A_54, %dma_start3A_55] : memref<512x64xf32, #tpu.memory_space<vmem>> -> memref<1x64xf32, #tpu.memory_space<vmem>>
      %dma_start3A_57 = tpu.memref_squeeze %dma_start3A_56 : memref<1x64xf32, #tpu.memory_space<vmem>> -> memref<64xf32, #tpu.memory_space<vmem>>
      %dma_start3A_58 = arith.constant 0 : i32
      %dma_start3A_59 = tpu.memref_slice %arg4[%squeeze3A_50, %dma_start3A_58] : memref<1000000x64xf32, #tpu.memory_space<hbm>> -> memref<1x64xf32, #tpu.memory_space<hbm>>
      %dma_start3A_60 = tpu.memref_squeeze %dma_start3A_59 : memref<1x64xf32, #tpu.memory_space<hbm>> -> memref<64xf32, #tpu.memory_space<hbm>>
      %dma_start3A_61 = arith.constant 0 : i32
      %dma_start3A_62 = tpu.memref_slice %arg8[%add3A_54, %dma_start3A_61] : memref<512x64xf32, #tpu.memory_space<vmem>> -> memref<1x64xf32, #tpu.memory_space<vmem>>
      %dma_start3A_63 = tpu.memref_squeeze %dma_start3A_62 : memref<1x64xf32, #tpu.memory_space<vmem>> -> memref<64xf32, #tpu.memory_space<vmem>>
      %dma_start3A_64 = arith.constant 0 : i32
      %dma_start3A_65 = tpu.memref_slice %arg4[%squeeze3A_50, %dma_start3A_64] : memref<1000000x64xf32, #tpu.memory_space<hbm>> -> memref<1x64xf32, #tpu.memory_space<hbm>>
      %dma_start3A_66 = tpu.memref_squeeze %dma_start3A_65 : memref<1x64xf32, #tpu.memory_space<hbm>> -> memref<64xf32, #tpu.memory_space<hbm>>
      tpu.enqueue_dma source(%dma_start3A_66 : memref<64xf32, #tpu.memory_space<hbm>>) target(%dma_start3A_63 : memref<64xf32, #tpu.memory_space<vmem>>) target_semaphore(%arg9 : memref<!tpu.dma_semaphore, #tpu.memory_space<semaphore_mem>>)
      %slice3A_67 = vector.extract_strided_slice %add3A_33 {offsets = [2], sizes = [1], strides = [1]} : vector<16xi32> to vector<1xi32>
      %squeeze3A_68 = vector.extract %slice3A_67[0] : i32 from vector<1xi32>
      %mul3A_69 = arith.constant 16 : i32
      %mul3A_70 = arith.muli %scan3A_20, %mul3A_69 : i32
      %add3A_71 = arith.constant 2 : i32
      %add3A_72 = arith.addi %mul3A_70, %add3A_71 : i32
      %dma_start3A_73 = arith.constant 0 : i32
      %dma_start3A_74 = tpu.memref_slice %arg8[%add3A_72, %dma_start3A_73] : memref<512x64xf32, #tpu.memory_space<vmem>> -> memref<1x64xf32, #tpu.memory_space<vmem>>
      %dma_start3A_75 = tpu.memref_squeeze %dma_start3A_74 : memref<1x64xf32, #tpu.memory_space<vmem>> -> memref<64xf32, #tpu.memory_space<vmem>>
      %dma_start3A_76 = arith.constant 0 : i32
      %dma_start3A_77 = tpu.memref_slice %arg4[%squeeze3A_68, %dma_start3A_76] : memref<1000000x64xf32, #tpu.memory_space<hbm>> -> memref<1x64xf32, #tpu.memory_space<hbm>>
      %dma_start3A_78 = tpu.memref_squeeze %dma_start3A_77 : memref<1x64xf32, #tpu.memory_space<hbm>> -> memref<64xf32, #tpu.memory_space<hbm>>
      %dma_start3A_79 = arith.constant 0 : i32
      %dma_start3A_80 = tpu.memref_slice %arg8[%add3A_72, %dma_start3A_79] : memref<512x64xf32, #tpu.memory_space<vmem>> -> memref<1x64xf32, #tpu.memory_space<vmem>>
      %dma_start3A_81 = tpu.memref_squeeze %dma_start3A_80 : memref<1x64xf32, #tpu.memory_space<vmem>> -> memref<64xf32, #tpu.memory_space<vmem>>
      %dma_start3A_82 = arith.constant 0 : i32
      %dma_start3A_83 = tpu.memref_slice %arg4[%squeeze3A_68, %dma_start3A_82] : memref<1000000x64xf32, #tpu.memory_space<hbm>> -> memref<1x64xf32, #tpu.memory_space<hbm>>
      %dma_start3A_84 = tpu.memref_squeeze %dma_start3A_83 : memref<1x64xf32, #tpu.memory_space<hbm>> -> memref<64xf32, #tpu.memory_space<hbm>>
      tpu.enqueue_dma source(%dma_start3A_84 : memref<64xf32, #tpu.memory_space<hbm>>) target(%dma_start3A_81 : memref<64xf32, #tpu.memory_space<vmem>>) target_semaphore(%arg9 : memref<!tpu.dma_semaphore, #tpu.memory_space<semaphore_mem>>)
      %slice3A_85 = vector.extract_strided_slice %add3A_33 {offsets = [3], sizes = [1], strides = [1]} : vector<16xi32> to vector<1xi32>
      %squeeze3A_86 = vector.extract %slice3A_85[0] : i32 from vector<1xi32>
      %mul3A_87 = arith.constant 16 : i32
      %mul3A_88 = arith.muli %scan3A_20, %mul3A_87 : i32
      %add3A_89 = arith.constant 3 : i32
      %add3A_90 = arith.addi %mul3A_88, %add3A_89 : i32
      %dma_start3A_91 = arith.constant 0 : i32
      %dma_start3A_92 = tpu.memref_slice %arg8[%add3A_90, %dma_start3A_91] : memref<512x64xf32, #tpu.memory_space<vmem>> -> memref<1x64xf32, #tpu.memory_space<vmem>>
      %dma_start3A_93 = tpu.memref_squeeze %dma_start3A_92 : memref<1x64xf32, #tpu.memory_space<vmem>> -> memref<64xf32, #tpu.memory_space<vmem>>
      %dma_start3A_94 = arith.constant 0 : i32
      %dma_start3A_95 = tpu.memref_slice %arg4[%squeeze3A_86, %dma_start3A_94] : memref<1000000x64xf32, #tpu.memory_space<hbm>> -> memref<1x64xf32, #tpu.memory_space<hbm>>
      %dma_start3A_96 = tpu.memref_squeeze %dma_start3A_95 : memref<1x64xf32, #tpu.memory_space<hbm>> -> memref<64xf32, #tpu.memory_space<hbm>>
      %dma_start3A_97 = arith.constant 0 : i32
      %dma_start3A_98 = tpu.memref_slice %arg8[%add3A_90, %dma_start3A_97] : memref<512x64xf32, #tpu.memory_space<vmem>> -> memref<1x64xf32, #tpu.memory_space<vmem>>
      %dma_start3A_99 = tpu.memref_squeeze %dma_start3A_98 : memref<1x64xf32, #tpu.memory_space<vmem>> -> memref<64xf32, #tpu.memory_space<vmem>>
      %dma_start3A_100 = arith.constant 0 : i32
      %dma_start3A_101 = tpu.memref_slice %arg4[%squeeze3A_86, %dma_start3A_100] : memref<1000000x64xf32, #tpu.memory_space<hbm>> -> memref<1x64xf32, #tpu.memory_space<hbm>>
      %dma_start3A_102 = tpu.memref_squeeze %dma_start3A_101 : memref<1x64xf32, #tpu.memory_space<hbm>> -> memref<64xf32, #tpu.memory_space<hbm>>
      tpu.enqueue_dma source(%dma_start3A_102 : memref<64xf32, #tpu.memory_space<hbm>>) target(%dma_start3A_99 : memref<64xf32, #tpu.memory_space<vmem>>) target_semaphore(%arg9 : memref<!tpu.dma_semaphore, #tpu.memory_space<semaphore_mem>>)
      %slice3A_103 = vector.extract_strided_slice %add3A_33 {offsets = [4], sizes = [1], strides = [1]} : vector<16xi32> to vector<1xi32>
      %squeeze3A_104 = vector.extract %slice3A_103[0] : i32 from vector<1xi32>
      %mul3A_105 = arith.constant 16 : i32
      %mul3A_106 = arith.muli %scan3A_20, %mul3A_105 : i32
      %add3A_107 = arith.constant 4 : i32
      %add3A_108 = arith.addi %mul3A_106, %add3A_107 : i32
      %dma_start3A_109 = arith.constant 0 : i32
      %dma_start3A_110 = tpu.memref_slice %arg8[%add3A_108, %dma_start3A_109] : memref<512x64xf32, #tpu.memory_space<vmem>> -> memref<1x64xf32, #tpu.memory_space<vmem>>
      %dma_start3A_111 = tpu.memref_squeeze %dma_start3A_110 : memref<1x64xf32, #tpu.memory_space<vmem>> -> memref<64xf32, #tpu.memory_space<vmem>>
      %dma_start3A_112 = arith.constant 0 : i32
      %dma_start3A_113 = tpu.memref_slice %arg4[%squeeze3A_104, %dma_start3A_112] : memref<1000000x64xf32, #tpu.memory_space<hbm>> -> memref<1x64xf32, #tpu.memory_space<hbm>>
      %dma_start3A_114 = tpu.memref_squeeze %dma_start3A_113 : memref<1x64xf32, #tpu.memory_space<hbm>> -> memref<64xf32, #tpu.memory_space<hbm>>
      %dma_start3A_115 = arith.constant 0 : i32
      %dma_start3A_116 = tpu.memref_slice %arg8[%add3A_108, %dma_start3A_115] : memref<512x64xf32, #tpu.memory_space<vmem>> -> memref<1x64xf32, #tpu.memory_space<vmem>>
      %dma_start3A_117 = tpu.memref_squeeze %dma_start3A_116 : memref<1x64xf32, #tpu.memory_space<vmem>> -> memref<64xf32, #tpu.memory_space<vmem>>
      %dma_start3A_118 = arith.constant 0 : i32
      %dma_start3A_119 = tpu.memref_slice %arg4[%squeeze3A_104, %dma_start3A_118] : memref<1000000x64xf32, #tpu.memory_space<hbm>> -> memref<1x64xf32, #tpu.memory_space<hbm>>
      %dma_start3A_120 = tpu.memref_squeeze %dma_start3A_119 : memref<1x64xf32, #tpu.memory_space<hbm>> -> memref<64xf32, #tpu.memory_space<hbm>>
      tpu.enqueue_dma source(%dma_start3A_120 : memref<64xf32, #tpu.memory_space<hbm>>) target(%dma_start3A_117 : memref<64xf32, #tpu.memory_space<vmem>>) target_semaphore(%arg9 : memref<!tpu.dma_semaphore, #tpu.memory_space<semaphore_mem>>)
      %slice3A_121 = vector.extract_strided_slice %add3A_33 {offsets = [5], sizes = [1], strides = [1]} : vector<16xi32> to vector<1xi32>
      %squeeze3A_122 = vector.extract %slice3A_121[0] : i32 from vector<1xi32>
      %mul3A_123 = arith.constant 16 : i32
      %mul3A_124 = arith.muli %scan3A_20, %mul3A_123 : i32
      %add3A_125 = arith.constant 5 : i32
      %add3A_126 = arith.addi %mul3A_124, %add3A_125 : i32
      %dma_start3A_127 = arith.constant 0 : i32
      %dma_start3A_128 = tpu.memref_slice %arg8[%add3A_126, %dma_start3A_127] : memref<512x64xf32, #tpu.memory_space<vmem>> -> memref<1x64xf32, #tpu.memory_space<vmem>>
      %dma_start3A_129 = tpu.memref_squeeze %dma_start3A_128 : memref<1x64xf32, #tpu.memory_space<vmem>> -> memref<64xf32, #tpu.memory_space<vmem>>
      %dma_start3A_130 = arith.constant 0 : i32
      %dma_start3A_131 = tpu.memref_slice %arg4[%squeeze3A_122, %dma_start3A_130] : memref<1000000x64xf32, #tpu.memory_space<hbm>> -> memref<1x64xf32, #tpu.memory_space<hbm>>
      %dma_start3A_132 = tpu.memref_squeeze %dma_start3A_131 : memref<1x64xf32, #tpu.memory_space<hbm>> -> memref<64xf32, #tpu.memory_space<hbm>>
      %dma_start3A_133 = arith.constant 0 : i32
      %dma_start3A_134 = tpu.memref_slice %arg8[%add3A_126, %dma_start3A_133] : memref<512x64xf32, #tpu.memory_space<vmem>> -> memref<1x64xf32, #tpu.memory_space<vmem>>
      %dma_start3A_135 = tpu.memref_squeeze %dma_start3A_134 : memref<1x64xf32, #tpu.memory_space<vmem>> -> memref<64xf32, #tpu.memory_space<vmem>>
      %dma_start3A_136 = arith.constant 0 : i32
      %dma_start3A_137 = tpu.memref_slice %arg4[%squeeze3A_122, %dma_start3A_136] : memref<1000000x64xf32, #tpu.memory_space<hbm>> -> memref<1x64xf32, #tpu.memory_space<hbm>>
      %dma_start3A_138 = tpu.memref_squeeze %dma_start3A_137 : memref<1x64xf32, #tpu.memory_space<hbm>> -> memref<64xf32, #tpu.memory_space<hbm>>
      tpu.enqueue_dma source(%dma_start3A_138 : memref<64xf32, #tpu.memory_space<hbm>>) target(%dma_start3A_135 : memref<64xf32, #tpu.memory_space<vmem>>) target_semaphore(%arg9 : memref<!tpu.dma_semaphore, #tpu.memory_space<semaphore_mem>>)
      %slice3A_139 = vector.extract_strided_slice %add3A_33 {offsets = [6], sizes = [1], strides = [1]} : vector<16xi32> to vector<1xi32>
      %squeeze3A_140 = vector.extract %slice3A_139[0] : i32 from vector<1xi32>
      %mul3A_141 = arith.constant 16 : i32
      %mul3A_142 = arith.muli %scan3A_20, %mul3A_141 : i32
      %add3A_143 = arith.constant 6 : i32
      %add3A_144 = arith.addi %mul3A_142, %add3A_143 : i32
      %dma_start3A_145 = arith.constant 0 : i32
      %dma_start3A_146 = tpu.memref_slice %arg8[%add3A_144, %dma_start3A_145] : memref<512x64xf32, #tpu.memory_space<vmem>> -> memref<1x64xf32, #tpu.memory_space<vmem>>
      %dma_start3A_147 = tpu.memref_squeeze %dma_start3A_146 : memref<1x64xf32, #tpu.memory_space<vmem>> -> memref<64xf32, #tpu.memory_space<vmem>>
      %dma_start3A_148 = arith.constant 0 : i32
      %dma_start3A_149 = tpu.memref_slice %arg4[%squeeze3A_140, %dma_start3A_148] : memref<1000000x64xf32, #tpu.memory_space<hbm>> -> memref<1x64xf32, #tpu.memory_space<hbm>>
      %dma_start3A_150 = tpu.memref_squeeze %dma_start3A_149 : memref<1x64xf32, #tpu.memory_space<hbm>> -> memref<64xf32, #tpu.memory_space<hbm>>
      %dma_start3A_151 = arith.constant 0 : i32
      %dma_start3A_152 = tpu.memref_slice %arg8[%add3A_144, %dma_start3A_151] : memref<512x64xf32, #tpu.memory_space<vmem>> -> memref<1x64xf32, #tpu.memory_space<vmem>>
      %dma_start3A_153 = tpu.memref_squeeze %dma_start3A_152 : memref<1x64xf32, #tpu.memory_space<vmem>> -> memref<64xf32, #tpu.memory_space<vmem>>
      %dma_start3A_154 = arith.constant 0 : i32
      %dma_start3A_155 = tpu.memref_slice %arg4[%squeeze3A_140, %dma_start3A_154] : memref<1000000x64xf32, #tpu.memory_space<hbm>> -> memref<1x64xf32, #tpu.memory_space<hbm>>
      %dma_start3A_156 = tpu.memref_squeeze %dma_start3A_155 : memref<1x64xf32, #tpu.memory_space<hbm>> -> memref<64xf32, #tpu.memory_space<hbm>>
      tpu.enqueue_dma source(%dma_start3A_156 : memref<64xf32, #tpu.memory_space<hbm>>) target(%dma_start3A_153 : memref<64xf32, #tpu.memory_space<vmem>>) target_semaphore(%arg9 : memref<!tpu.dma_semaphore, #tpu.memory_space<semaphore_mem>>)
      %slice3A_157 = vector.extract_strided_slice %add3A_33 {offsets = [7], sizes = [1], strides = [1]} : vector<16xi32> to vector<1xi32>
      %squeeze3A_158 = vector.extract %slice3A_157[0] : i32 from vector<1xi32>
      %mul3A_159 = arith.constant 16 : i32
      %mul3A_160 = arith.muli %scan3A_20, %mul3A_159 : i32
      %add3A_161 = arith.constant 7 : i32
      %add3A_162 = arith.addi %mul3A_160, %add3A_161 : i32
      %dma_start3A_163 = arith.constant 0 : i32
      %dma_start3A_164 = tpu.memref_slice %arg8[%add3A_162, %dma_start3A_163] : memref<512x64xf32, #tpu.memory_space<vmem>> -> memref<1x64xf32, #tpu.memory_space<vmem>>
      %dma_start3A_165 = tpu.memref_squeeze %dma_start3A_164 : memref<1x64xf32, #tpu.memory_space<vmem>> -> memref<64xf32, #tpu.memory_space<vmem>>
      %dma_start3A_166 = arith.constant 0 : i32
      %dma_start3A_167 = tpu.memref_slice %arg4[%squeeze3A_158, %dma_start3A_166] : memref<1000000x64xf32, #tpu.memory_space<hbm>> -> memref<1x64xf32, #tpu.memory_space<hbm>>
      %dma_start3A_168 = tpu.memref_squeeze %dma_start3A_167 : memref<1x64xf32, #tpu.memory_space<hbm>> -> memref<64xf32, #tpu.memory_space<hbm>>
      %dma_start3A_169 = arith.constant 0 : i32
      %dma_start3A_170 = tpu.memref_slice %arg8[%add3A_162, %dma_start3A_169] : memref<512x64xf32, #tpu.memory_space<vmem>> -> memref<1x64xf32, #tpu.memory_space<vmem>>
      %dma_start3A_171 = tpu.memref_squeeze %dma_start3A_170 : memref<1x64xf32, #tpu.memory_space<vmem>> -> memref<64xf32, #tpu.memory_space<vmem>>
      %dma_start3A_172 = arith.constant 0 : i32
      %dma_start3A_173 = tpu.memref_slice %arg4[%squeeze3A_158, %dma_start3A_172] : memref<1000000x64xf32, #tpu.memory_space<hbm>> -> memref<1x64xf32, #tpu.memory_space<hbm>>
      %dma_start3A_174 = tpu.memref_squeeze %dma_start3A_173 : memref<1x64xf32, #tpu.memory_space<hbm>> -> memref<64xf32, #tpu.memory_space<hbm>>
      tpu.enqueue_dma source(%dma_start3A_174 : memref<64xf32, #tpu.memory_space<hbm>>) target(%dma_start3A_171 : memref<64xf32, #tpu.memory_space<vmem>>) target_semaphore(%arg9 : memref<!tpu.dma_semaphore, #tpu.memory_space<semaphore_mem>>)
      %slice3A_175 = vector.extract_strided_slice %add3A_33 {offsets = [8], sizes = [1], strides = [1]} : vector<16xi32> to vector<1xi32>
      %squeeze3A_176 = vector.extract %slice3A_175[0] : i32 from vector<1xi32>
      %mul3A_177 = arith.constant 16 : i32
      %mul3A_178 = arith.muli %scan3A_20, %mul3A_177 : i32
      %add3A_179 = arith.constant 8 : i32
      %add3A_180 = arith.addi %mul3A_178, %add3A_179 : i32
      %dma_start3A_181 = arith.constant 0 : i32
      %dma_start3A_182 = tpu.memref_slice %arg8[%add3A_180, %dma_start3A_181] : memref<512x64xf32, #tpu.memory_space<vmem>> -> memref<1x64xf32, #tpu.memory_space<vmem>>
      %dma_start3A_183 = tpu.memref_squeeze %dma_start3A_182 : memref<1x64xf32, #tpu.memory_space<vmem>> -> memref<64xf32, #tpu.memory_space<vmem>>
      %dma_start3A_184 = arith.constant 0 : i32
      %dma_start3A_185 = tpu.memref_slice %arg4[%squeeze3A_176, %dma_start3A_184] : memref<1000000x64xf32, #tpu.memory_space<hbm>> -> memref<1x64xf32, #tpu.memory_space<hbm>>
      %dma_start3A_186 = tpu.memref_squeeze %dma_start3A_185 : memref<1x64xf32, #tpu.memory_space<hbm>> -> memref<64xf32, #tpu.memory_space<hbm>>
      %dma_start3A_187 = arith.constant 0 : i32
      %dma_start3A_188 = tpu.memref_slice %arg8[%add3A_180, %dma_start3A_187] : memref<512x64xf32, #tpu.memory_space<vmem>> -> memref<1x64xf32, #tpu.memory_space<vmem>>
      %dma_start3A_189 = tpu.memref_squeeze %dma_start3A_188 : memref<1x64xf32, #tpu.memory_space<vmem>> -> memref<64xf32, #tpu.memory_space<vmem>>
      %dma_start3A_190 = arith.constant 0 : i32
      %dma_start3A_191 = tpu.memref_slice %arg4[%squeeze3A_176, %dma_start3A_190] : memref<1000000x64xf32, #tpu.memory_space<hbm>> -> memref<1x64xf32, #tpu.memory_space<hbm>>
      %dma_start3A_192 = tpu.memref_squeeze %dma_start3A_191 : memref<1x64xf32, #tpu.memory_space<hbm>> -> memref<64xf32, #tpu.memory_space<hbm>>
      tpu.enqueue_dma source(%dma_start3A_192 : memref<64xf32, #tpu.memory_space<hbm>>) target(%dma_start3A_189 : memref<64xf32, #tpu.memory_space<vmem>>) target_semaphore(%arg9 : memref<!tpu.dma_semaphore, #tpu.memory_space<semaphore_mem>>)
      %slice3A_193 = vector.extract_strided_slice %add3A_33 {offsets = [9], sizes = [1], strides = [1]} : vector<16xi32> to vector<1xi32>
      %squeeze3A_194 = vector.extract %slice3A_193[0] : i32 from vector<1xi32>
      %mul3A_195 = arith.constant 16 : i32
      %mul3A_196 = arith.muli %scan3A_20, %mul3A_195 : i32
      %add3A_197 = arith.constant 9 : i32
      %add3A_198 = arith.addi %mul3A_196, %add3A_197 : i32
      %dma_start3A_199 = arith.constant 0 : i32
      %dma_start3A_200 = tpu.memref_slice %arg8[%add3A_198, %dma_start3A_199] : memref<512x64xf32, #tpu.memory_space<vmem>> -> memref<1x64xf32, #tpu.memory_space<vmem>>
      %dma_start3A_201 = tpu.memref_squeeze %dma_start3A_200 : memref<1x64xf32, #tpu.memory_space<vmem>> -> memref<64xf32, #tpu.memory_space<vmem>>
      %dma_start3A_202 = arith.constant 0 : i32
      %dma_start3A_203 = tpu.memref_slice %arg4[%squeeze3A_194, %dma_start3A_202] : memref<1000000x64xf32, #tpu.memory_space<hbm>> -> memref<1x64xf32, #tpu.memory_space<hbm>>
      %dma_start3A_204 = tpu.memref_squeeze %dma_start3A_203 : memref<1x64xf32, #tpu.memory_space<hbm>> -> memref<64xf32, #tpu.memory_space<hbm>>
      %dma_start3A_205 = arith.constant 0 : i32
      %dma_start3A_206 = tpu.memref_slice %arg8[%add3A_198, %dma_start3A_205] : memref<512x64xf32, #tpu.memory_space<vmem>> -> memref<1x64xf32, #tpu.memory_space<vmem>>
      %dma_start3A_207 = tpu.memref_squeeze %dma_start3A_206 : memref<1x64xf32, #tpu.memory_space<vmem>> -> memref<64xf32, #tpu.memory_space<vmem>>
      %dma_start3A_208 = arith.constant 0 : i32
      %dma_start3A_209 = tpu.memref_slice %arg4[%squeeze3A_194, %dma_start3A_208] : memref<1000000x64xf32, #tpu.memory_space<hbm>> -> memref<1x64xf32, #tpu.memory_space<hbm>>
      %dma_start3A_210 = tpu.memref_squeeze %dma_start3A_209 : memref<1x64xf32, #tpu.memory_space<hbm>> -> memref<64xf32, #tpu.memory_space<hbm>>
      tpu.enqueue_dma source(%dma_start3A_210 : memref<64xf32, #tpu.memory_space<hbm>>) target(%dma_start3A_207 : memref<64xf32, #tpu.memory_space<vmem>>) target_semaphore(%arg9 : memref<!tpu.dma_semaphore, #tpu.memory_space<semaphore_mem>>)
      %slice3A_211 = vector.extract_strided_slice %add3A_33 {offsets = [10], sizes = [1], strides = [1]} : vector<16xi32> to vector<1xi32>
      %squeeze3A_212 = vector.extract %slice3A_211[0] : i32 from vector<1xi32>
      %mul3A_213 = arith.constant 16 : i32
      %mul3A_214 = arith.muli %scan3A_20, %mul3A_213 : i32
      %add3A_215 = arith.constant 10 : i32
      %add3A_216 = arith.addi %mul3A_214, %add3A_215 : i32
      %dma_start3A_217 = arith.constant 0 : i32
      %dma_start3A_218 = tpu.memref_slice %arg8[%add3A_216, %dma_start3A_217] : memref<512x64xf32, #tpu.memory_space<vmem>> -> memref<1x64xf32, #tpu.memory_space<vmem>>
      %dma_start3A_219 = tpu.memref_squeeze %dma_start3A_218 : memref<1x64xf32, #tpu.memory_space<vmem>> -> memref<64xf32, #tpu.memory_space<vmem>>
      %dma_start3A_220 = arith.constant 0 : i32
      %dma_start3A_221 = tpu.memref_slice %arg4[%squeeze3A_212, %dma_start3A_220] : memref<1000000x64xf32, #tpu.memory_space<hbm>> -> memref<1x64xf32, #tpu.memory_space<hbm>>
      %dma_start3A_222 = tpu.memref_squeeze %dma_start3A_221 : memref<1x64xf32, #tpu.memory_space<hbm>> -> memref<64xf32, #tpu.memory_space<hbm>>
      %dma_start3A_223 = arith.constant 0 : i32
      %dma_start3A_224 = tpu.memref_slice %arg8[%add3A_216, %dma_start3A_223] : memref<512x64xf32, #tpu.memory_space<vmem>> -> memref<1x64xf32, #tpu.memory_space<vmem>>
      %dma_start3A_225 = tpu.memref_squeeze %dma_start3A_224 : memref<1x64xf32, #tpu.memory_space<vmem>> -> memref<64xf32, #tpu.memory_space<vmem>>
      %dma_start3A_226 = arith.constant 0 : i32
      %dma_start3A_227 = tpu.memref_slice %arg4[%squeeze3A_212, %dma_start3A_226] : memref<1000000x64xf32, #tpu.memory_space<hbm>> -> memref<1x64xf32, #tpu.memory_space<hbm>>
      %dma_start3A_228 = tpu.memref_squeeze %dma_start3A_227 : memref<1x64xf32, #tpu.memory_space<hbm>> -> memref<64xf32, #tpu.memory_space<hbm>>
      tpu.enqueue_dma source(%dma_start3A_228 : memref<64xf32, #tpu.memory_space<hbm>>) target(%dma_start3A_225 : memref<64xf32, #tpu.memory_space<vmem>>) target_semaphore(%arg9 : memref<!tpu.dma_semaphore, #tpu.memory_space<semaphore_mem>>)
      %slice3A_229 = vector.extract_strided_slice %add3A_33 {offsets = [11], sizes = [1], strides = [1]} : vector<16xi32> to vector<1xi32>
      %squeeze3A_230 = vector.extract %slice3A_229[0] : i32 from vector<1xi32>
      %mul3A_231 = arith.constant 16 : i32
      %mul3A_232 = arith.muli %scan3A_20, %mul3A_231 : i32
      %add3A_233 = arith.constant 11 : i32
      %add3A_234 = arith.addi %mul3A_232, %add3A_233 : i32
      %dma_start3A_235 = arith.constant 0 : i32
      %dma_start3A_236 = tpu.memref_slice %arg8[%add3A_234, %dma_start3A_235] : memref<512x64xf32, #tpu.memory_space<vmem>> -> memref<1x64xf32, #tpu.memory_space<vmem>>
      %dma_start3A_237 = tpu.memref_squeeze %dma_start3A_236 : memref<1x64xf32, #tpu.memory_space<vmem>> -> memref<64xf32, #tpu.memory_space<vmem>>
      %dma_start3A_238 = arith.constant 0 : i32
      %dma_start3A_239 = tpu.memref_slice %arg4[%squeeze3A_230, %dma_start3A_238] : memref<1000000x64xf32, #tpu.memory_space<hbm>> -> memref<1x64xf32, #tpu.memory_space<hbm>>
      %dma_start3A_240 = tpu.memref_squeeze %dma_start3A_239 : memref<1x64xf32, #tpu.memory_space<hbm>> -> memref<64xf32, #tpu.memory_space<hbm>>
      %dma_start3A_241 = arith.constant 0 : i32
      %dma_start3A_242 = tpu.memref_slice %arg8[%add3A_234, %dma_start3A_241] : memref<512x64xf32, #tpu.memory_space<vmem>> -> memref<1x64xf32, #tpu.memory_space<vmem>>
      %dma_start3A_243 = tpu.memref_squeeze %dma_start3A_242 : memref<1x64xf32, #tpu.memory_space<vmem>> -> memref<64xf32, #tpu.memory_space<vmem>>
      %dma_start3A_244 = arith.constant 0 : i32
      %dma_start3A_245 = tpu.memref_slice %arg4[%squeeze3A_230, %dma_start3A_244] : memref<1000000x64xf32, #tpu.memory_space<hbm>> -> memref<1x64xf32, #tpu.memory_space<hbm>>
      %dma_start3A_246 = tpu.memref_squeeze %dma_start3A_245 : memref<1x64xf32, #tpu.memory_space<hbm>> -> memref<64xf32, #tpu.memory_space<hbm>>
      tpu.enqueue_dma source(%dma_start3A_246 : memref<64xf32, #tpu.memory_space<hbm>>) target(%dma_start3A_243 : memref<64xf32, #tpu.memory_space<vmem>>) target_semaphore(%arg9 : memref<!tpu.dma_semaphore, #tpu.memory_space<semaphore_mem>>)
      %slice3A_247 = vector.extract_strided_slice %add3A_33 {offsets = [12], sizes = [1], strides = [1]} : vector<16xi32> to vector<1xi32>
      %squeeze3A_248 = vector.extract %slice3A_247[0] : i32 from vector<1xi32>
      %mul3A_249 = arith.constant 16 : i32
      %mul3A_250 = arith.muli %scan3A_20, %mul3A_249 : i32
      %add3A_251 = arith.constant 12 : i32
      %add3A_252 = arith.addi %mul3A_250, %add3A_251 : i32
      %dma_start3A_253 = arith.constant 0 : i32
      %dma_start3A_254 = tpu.memref_slice %arg8[%add3A_252, %dma_start3A_253] : memref<512x64xf32, #tpu.memory_space<vmem>> -> memref<1x64xf32, #tpu.memory_space<vmem>>
      %dma_start3A_255 = tpu.memref_squeeze %dma_start3A_254 : memref<1x64xf32, #tpu.memory_space<vmem>> -> memref<64xf32, #tpu.memory_space<vmem>>
      %dma_start3A_256 = arith.constant 0 : i32
      %dma_start3A_257 = tpu.memref_slice %arg4[%squeeze3A_248, %dma_start3A_256] : memref<1000000x64xf32, #tpu.memory_space<hbm>> -> memref<1x64xf32, #tpu.memory_space<hbm>>
      %dma_start3A_258 = tpu.memref_squeeze %dma_start3A_257 : memref<1x64xf32, #tpu.memory_space<hbm>> -> memref<64xf32, #tpu.memory_space<hbm>>
      %dma_start3A_259 = arith.constant 0 : i32
      %dma_start3A_260 = tpu.memref_slice %arg8[%add3A_252, %dma_start3A_259] : memref<512x64xf32, #tpu.memory_space<vmem>> -> memref<1x64xf32, #tpu.memory_space<vmem>>
      %dma_start3A_261 = tpu.memref_squeeze %dma_start3A_260 : memref<1x64xf32, #tpu.memory_space<vmem>> -> memref<64xf32, #tpu.memory_space<vmem>>
      %dma_start3A_262 = arith.constant 0 : i32
      %dma_start3A_263 = tpu.memref_slice %arg4[%squeeze3A_248, %dma_start3A_262] : memref<1000000x64xf32, #tpu.memory_space<hbm>> -> memref<1x64xf32, #tpu.memory_space<hbm>>
      %dma_start3A_264 = tpu.memref_squeeze %dma_start3A_263 : memref<1x64xf32, #tpu.memory_space<hbm>> -> memref<64xf32, #tpu.memory_space<hbm>>
      tpu.enqueue_dma source(%dma_start3A_264 : memref<64xf32, #tpu.memory_space<hbm>>) target(%dma_start3A_261 : memref<64xf32, #tpu.memory_space<vmem>>) target_semaphore(%arg9 : memref<!tpu.dma_semaphore, #tpu.memory_space<semaphore_mem>>)
      %slice3A_265 = vector.extract_strided_slice %add3A_33 {offsets = [13], sizes = [1], strides = [1]} : vector<16xi32> to vector<1xi32>
      %squeeze3A_266 = vector.extract %slice3A_265[0] : i32 from vector<1xi32>
      %mul3A_267 = arith.constant 16 : i32
      %mul3A_268 = arith.muli %scan3A_20, %mul3A_267 : i32
      %add3A_269 = arith.constant 13 : i32
      %add3A_270 = arith.addi %mul3A_268, %add3A_269 : i32
      %dma_start3A_271 = arith.constant 0 : i32
      %dma_start3A_272 = tpu.memref_slice %arg8[%add3A_270, %dma_start3A_271] : memref<512x64xf32, #tpu.memory_space<vmem>> -> memref<1x64xf32, #tpu.memory_space<vmem>>
      %dma_start3A_273 = tpu.memref_squeeze %dma_start3A_272 : memref<1x64xf32, #tpu.memory_space<vmem>> -> memref<64xf32, #tpu.memory_space<vmem>>
      %dma_start3A_274 = arith.constant 0 : i32
      %dma_start3A_275 = tpu.memref_slice %arg4[%squeeze3A_266, %dma_start3A_274] : memref<1000000x64xf32, #tpu.memory_space<hbm>> -> memref<1x64xf32, #tpu.memory_space<hbm>>
      %dma_start3A_276 = tpu.memref_squeeze %dma_start3A_275 : memref<1x64xf32, #tpu.memory_space<hbm>> -> memref<64xf32, #tpu.memory_space<hbm>>
      %dma_start3A_277 = arith.constant 0 : i32
      %dma_start3A_278 = tpu.memref_slice %arg8[%add3A_270, %dma_start3A_277] : memref<512x64xf32, #tpu.memory_space<vmem>> -> memref<1x64xf32, #tpu.memory_space<vmem>>
      %dma_start3A_279 = tpu.memref_squeeze %dma_start3A_278 : memref<1x64xf32, #tpu.memory_space<vmem>> -> memref<64xf32, #tpu.memory_space<vmem>>
      %dma_start3A_280 = arith.constant 0 : i32
      %dma_start3A_281 = tpu.memref_slice %arg4[%squeeze3A_266, %dma_start3A_280] : memref<1000000x64xf32, #tpu.memory_space<hbm>> -> memref<1x64xf32, #tpu.memory_space<hbm>>
      %dma_start3A_282 = tpu.memref_squeeze %dma_start3A_281 : memref<1x64xf32, #tpu.memory_space<hbm>> -> memref<64xf32, #tpu.memory_space<hbm>>
      tpu.enqueue_dma source(%dma_start3A_282 : memref<64xf32, #tpu.memory_space<hbm>>) target(%dma_start3A_279 : memref<64xf32, #tpu.memory_space<vmem>>) target_semaphore(%arg9 : memref<!tpu.dma_semaphore, #tpu.memory_space<semaphore_mem>>)
      %slice3A_283 = vector.extract_strided_slice %add3A_33 {offsets = [14], sizes = [1], strides = [1]} : vector<16xi32> to vector<1xi32>
      %squeeze3A_284 = vector.extract %slice3A_283[0] : i32 from vector<1xi32>
      %mul3A_285 = arith.constant 16 : i32
      %mul3A_286 = arith.muli %scan3A_20, %mul3A_285 : i32
      %add3A_287 = arith.constant 14 : i32
      %add3A_288 = arith.addi %mul3A_286, %add3A_287 : i32
      %dma_start3A_289 = arith.constant 0 : i32
      %dma_start3A_290 = tpu.memref_slice %arg8[%add3A_288, %dma_start3A_289] : memref<512x64xf32, #tpu.memory_space<vmem>> -> memref<1x64xf32, #tpu.memory_space<vmem>>
      %dma_start3A_291 = tpu.memref_squeeze %dma_start3A_290 : memref<1x64xf32, #tpu.memory_space<vmem>> -> memref<64xf32, #tpu.memory_space<vmem>>
      %dma_start3A_292 = arith.constant 0 : i32
      %dma_start3A_293 = tpu.memref_slice %arg4[%squeeze3A_284, %dma_start3A_292] : memref<1000000x64xf32, #tpu.memory_space<hbm>> -> memref<1x64xf32, #tpu.memory_space<hbm>>
      %dma_start3A_294 = tpu.memref_squeeze %dma_start3A_293 : memref<1x64xf32, #tpu.memory_space<hbm>> -> memref<64xf32, #tpu.memory_space<hbm>>
      %dma_start3A_295 = arith.constant 0 : i32
      %dma_start3A_296 = tpu.memref_slice %arg8[%add3A_288, %dma_start3A_295] : memref<512x64xf32, #tpu.memory_space<vmem>> -> memref<1x64xf32, #tpu.memory_space<vmem>>
      %dma_start3A_297 = tpu.memref_squeeze %dma_start3A_296 : memref<1x64xf32, #tpu.memory_space<vmem>> -> memref<64xf32, #tpu.memory_space<vmem>>
      %dma_start3A_298 = arith.constant 0 : i32
      %dma_start3A_299 = tpu.memref_slice %arg4[%squeeze3A_284, %dma_start3A_298] : memref<1000000x64xf32, #tpu.memory_space<hbm>> -> memref<1x64xf32, #tpu.memory_space<hbm>>
      %dma_start3A_300 = tpu.memref_squeeze %dma_start3A_299 : memref<1x64xf32, #tpu.memory_space<hbm>> -> memref<64xf32, #tpu.memory_space<hbm>>
      tpu.enqueue_dma source(%dma_start3A_300 : memref<64xf32, #tpu.memory_space<hbm>>) target(%dma_start3A_297 : memref<64xf32, #tpu.memory_space<vmem>>) target_semaphore(%arg9 : memref<!tpu.dma_semaphore, #tpu.memory_space<semaphore_mem>>)
      %slice3A_301 = vector.extract_strided_slice %add3A_33 {offsets = [15], sizes = [1], strides = [1]} : vector<16xi32> to vector<1xi32>
      %squeeze3A_302 = vector.extract %slice3A_301[0] : i32 from vector<1xi32>
      %mul3A_303 = arith.constant 16 : i32
      %mul3A_304 = arith.muli %scan3A_20, %mul3A_303 : i32
      %add3A_305 = arith.constant 15 : i32
      %add3A_306 = arith.addi %mul3A_304, %add3A_305 : i32
      %dma_start3A_307 = arith.constant 0 : i32
      %dma_start3A_308 = tpu.memref_slice %arg8[%add3A_306, %dma_start3A_307] : memref<512x64xf32, #tpu.memory_space<vmem>> -> memref<1x64xf32, #tpu.memory_space<vmem>>
      %dma_start3A_309 = tpu.memref_squeeze %dma_start3A_308 : memref<1x64xf32, #tpu.memory_space<vmem>> -> memref<64xf32, #tpu.memory_space<vmem>>
      %dma_start3A_310 = arith.constant 0 : i32
      %dma_start3A_311 = tpu.memref_slice %arg4[%squeeze3A_302, %dma_start3A_310] : memref<1000000x64xf32, #tpu.memory_space<hbm>> -> memref<1x64xf32, #tpu.memory_space<hbm>>
      %dma_start3A_312 = tpu.memref_squeeze %dma_start3A_311 : memref<1x64xf32, #tpu.memory_space<hbm>> -> memref<64xf32, #tpu.memory_space<hbm>>
      %dma_start3A_313 = arith.constant 0 : i32
      %dma_start3A_314 = tpu.memref_slice %arg8[%add3A_306, %dma_start3A_313] : memref<512x64xf32, #tpu.memory_space<vmem>> -> memref<1x64xf32, #tpu.memory_space<vmem>>
      %dma_start3A_315 = tpu.memref_squeeze %dma_start3A_314 : memref<1x64xf32, #tpu.memory_space<vmem>> -> memref<64xf32, #tpu.memory_space<vmem>>
      %dma_start3A_316 = arith.constant 0 : i32
      %dma_start3A_317 = tpu.memref_slice %arg4[%squeeze3A_302, %dma_start3A_316] : memref<1000000x64xf32, #tpu.memory_space<hbm>> -> memref<1x64xf32, #tpu.memory_space<hbm>>
      %dma_start3A_318 = tpu.memref_squeeze %dma_start3A_317 : memref<1x64xf32, #tpu.memory_space<hbm>> -> memref<64xf32, #tpu.memory_space<hbm>>
      tpu.enqueue_dma source(%dma_start3A_318 : memref<64xf32, #tpu.memory_space<hbm>>) target(%dma_start3A_315 : memref<64xf32, #tpu.memory_space<vmem>>) target_semaphore(%arg9 : memref<!tpu.dma_semaphore, #tpu.memory_space<semaphore_mem>>)
    }
    %scan3A_7 = arith.constant 8 : i32
    %scan3A_8 = arith.constant 0 : i32
    %scan3A_9 = arith.constant 8 : i32
    %scan3A_10 = arith.constant 24 : i32
    %scan3A_11 = arith.addi %scan3A_9, %scan3A_10 : i32
    %scan3A_12 = arith.constant 1 : i32
    scf.for %scan3A_20 = %scan3A_9 to %scan3A_11 step %scan3A_12  : i32 {
      %mul3A_21 = arith.constant 16 : i32
      %mul3A_22 = arith.muli %scan3A_20, %mul3A_21 : i32
      %get3A = arith.index_cast %mul3A_22 : i32 to index
      %get3A_23 = tpu.vector_load %arg6[%get3A] {strides = array<i32>} : memref<512xi32, #tpu.memory_space<vmem>>, vector<16xi32>,
      %get3A_24 = vector.shape_cast %get3A_23 : vector<16xi32> to vector<16xi32>
      %mul3A_25 = arith.constant 16 : i32
      %mul3A_26 = arith.muli %scan3A_20, %mul3A_25 : i32
      %get3A_27 = arith.index_cast %mul3A_26 : i32 to index
      %get3A_28 = tpu.vector_load %arg7[%get3A_27] {strides = array<i32>} : memref<512xi32, #tpu.memory_space<vmem>>, vector<16xi32>,
      %get3A_29 = vector.shape_cast %get3A_28 : vector<16xi32> to vector<16xi32>
      %mul3A_30 = arith.constant 1000 : i32
      %mul3A_31 = vector.broadcast %mul3A_30 : i32 to vector<16xi32>
      %mul3A_32 = arith.muli %get3A_24, %mul3A_31 : vector<16xi32>
      %add3A_33 = arith.addi %mul3A_32, %get3A_29 : vector<16xi32>
      %slice3A = vector.extract_strided_slice %add3A_33 {offsets = [0], sizes = [1], strides = [1]} : vector<16xi32> to vector<1xi32>
      %squeeze3A = vector.extract %slice3A[0] : i32 from vector<1xi32>
      %mul3A_34 = arith.constant 16 : i32
      %mul3A_35 = arith.muli %scan3A_20, %mul3A_34 : i32
      %add3A_36 = arith.constant 0 : i32
      %add3A_37 = arith.addi %mul3A_35, %add3A_36 : i32
      %dma_start3A = arith.constant 0 : i32
      %dma_start3A_38 = tpu.memref_slice %arg8[%add3A_37, %dma_start3A] : memref<512x64xf32, #tpu.memory_space<vmem>> -> memref<1x64xf32, #tpu.memory_space<vmem>>
      %dma_start3A_39 = tpu.memref_squeeze %dma_start3A_38 : memref<1x64xf32, #tpu.memory_space<vmem>> -> memref<64xf32, #tpu.memory_space<vmem>>
      %dma_start3A_40 = arith.constant 0 : i32
      %dma_start3A_41 = tpu.memref_slice %arg4[%squeeze3A, %dma_start3A_40] : memref<1000000x64xf32, #tpu.memory_space<hbm>> -> memref<1x64xf32, #tpu.memory_space<hbm>>
      %dma_start3A_42 = tpu.memref_squeeze %dma_start3A_41 : memref<1x64xf32, #tpu.memory_space<hbm>> -> memref<64xf32, #tpu.memory_space<hbm>>
      %dma_start3A_43 = arith.constant 0 : i32
      %dma_start3A_44 = tpu.memref_slice %arg8[%add3A_37, %dma_start3A_43] : memref<512x64xf32, #tpu.memory_space<vmem>> -> memref<1x64xf32, #tpu.memory_space<vmem>>
      %dma_start3A_45 = tpu.memref_squeeze %dma_start3A_44 : memref<1x64xf32, #tpu.memory_space<vmem>> -> memref<64xf32, #tpu.memory_space<vmem>>
      %dma_start3A_46 = arith.constant 0 : i32
      %dma_start3A_47 = tpu.memref_slice %arg4[%squeeze3A, %dma_start3A_46] : memref<1000000x64xf32, #tpu.memory_space<hbm>> -> memref<1x64xf32, #tpu.memory_space<hbm>>
      %dma_start3A_48 = tpu.memref_squeeze %dma_start3A_47 : memref<1x64xf32, #tpu.memory_space<hbm>> -> memref<64xf32, #tpu.memory_space<hbm>>
      tpu.enqueue_dma source(%dma_start3A_48 : memref<64xf32, #tpu.memory_space<hbm>>) target(%dma_start3A_45 : memref<64xf32, #tpu.memory_space<vmem>>) target_semaphore(%arg9 : memref<!tpu.dma_semaphore, #tpu.memory_space<semaphore_mem>>)
      %slice3A_49 = vector.extract_strided_slice %add3A_33 {offsets = [1], sizes = [1], strides = [1]} : vector<16xi32> to vector<1xi32>
      %squeeze3A_50 = vector.extract %slice3A_49[0] : i32 from vector<1xi32>
      %mul3A_51 = arith.constant 16 : i32
      %mul3A_52 = arith.muli %scan3A_20, %mul3A_51 : i32
      %add3A_53 = arith.constant 1 : i32
      %add3A_54 = arith.addi %mul3A_52, %add3A_53 : i32
      %dma_start3A_55 = arith.constant 0 : i32
      %dma_start3A_56 = tpu.memref_slice %arg8[%add3A_54, %dma_start3A_55] : memref<512x64xf32, #tpu.memory_space<vmem>> -> memref<1x64xf32, #tpu.memory_space<vmem>>
      %dma_start3A_57 = tpu.memref_squeeze %dma_start3A_56 : memref<1x64xf32, #tpu.memory_space<vmem>> -> memref<64xf32, #tpu.memory_space<vmem>>
      %dma_start3A_58 = arith.constant 0 : i32
      %dma_start3A_59 = tpu.memref_slice %arg4[%squeeze3A_50, %dma_start3A_58] : memref<1000000x64xf32, #tpu.memory_space<hbm>> -> memref<1x64xf32, #tpu.memory_space<hbm>>
      %dma_start3A_60 = tpu.memref_squeeze %dma_start3A_59 : memref<1x64xf32, #tpu.memory_space<hbm>> -> memref<64xf32, #tpu.memory_space<hbm>>
      %dma_start3A_61 = arith.constant 0 : i32
      %dma_start3A_62 = tpu.memref_slice %arg8[%add3A_54, %dma_start3A_61] : memref<512x64xf32, #tpu.memory_space<vmem>> -> memref<1x64xf32, #tpu.memory_space<vmem>>
      %dma_start3A_63 = tpu.memref_squeeze %dma_start3A_62 : memref<1x64xf32, #tpu.memory_space<vmem>> -> memref<64xf32, #tpu.memory_space<vmem>>
      %dma_start3A_64 = arith.constant 0 : i32
      %dma_start3A_65 = tpu.memref_slice %arg4[%squeeze3A_50, %dma_start3A_64] : memref<1000000x64xf32, #tpu.memory_space<hbm>> -> memref<1x64xf32, #tpu.memory_space<hbm>>
      %dma_start3A_66 = tpu.memref_squeeze %dma_start3A_65 : memref<1x64xf32, #tpu.memory_space<hbm>> -> memref<64xf32, #tpu.memory_space<hbm>>
      tpu.enqueue_dma source(%dma_start3A_66 : memref<64xf32, #tpu.memory_space<hbm>>) target(%dma_start3A_63 : memref<64xf32, #tpu.memory_space<vmem>>) target_semaphore(%arg9 : memref<!tpu.dma_semaphore, #tpu.memory_space<semaphore_mem>>)
      %slice3A_67 = vector.extract_strided_slice %add3A_33 {offsets = [2], sizes = [1], strides = [1]} : vector<16xi32> to vector<1xi32>
      %squeeze3A_68 = vector.extract %slice3A_67[0] : i32 from vector<1xi32>
      %mul3A_69 = arith.constant 16 : i32
      %mul3A_70 = arith.muli %scan3A_20, %mul3A_69 : i32
      %add3A_71 = arith.constant 2 : i32
      %add3A_72 = arith.addi %mul3A_70, %add3A_71 : i32
      %dma_start3A_73 = arith.constant 0 : i32
      %dma_start3A_74 = tpu.memref_slice %arg8[%add3A_72, %dma_start3A_73] : memref<512x64xf32, #tpu.memory_space<vmem>> -> memref<1x64xf32, #tpu.memory_space<vmem>>
      %dma_start3A_75 = tpu.memref_squeeze %dma_start3A_74 : memref<1x64xf32, #tpu.memory_space<vmem>> -> memref<64xf32, #tpu.memory_space<vmem>>
      %dma_start3A_76 = arith.constant 0 : i32
      %dma_start3A_77 = tpu.memref_slice %arg4[%squeeze3A_68, %dma_start3A_76] : memref<1000000x64xf32, #tpu.memory_space<hbm>> -> memref<1x64xf32, #tpu.memory_space<hbm>>
      %dma_start3A_78 = tpu.memref_squeeze %dma_start3A_77 : memref<1x64xf32, #tpu.memory_space<hbm>> -> memref<64xf32, #tpu.memory_space<hbm>>
      %dma_start3A_79 = arith.constant 0 : i32
      %dma_start3A_80 = tpu.memref_slice %arg8[%add3A_72, %dma_start3A_79] : memref<512x64xf32, #tpu.memory_space<vmem>> -> memref<1x64xf32, #tpu.memory_space<vmem>>
      %dma_start3A_81 = tpu.memref_squeeze %dma_start3A_80 : memref<1x64xf32, #tpu.memory_space<vmem>> -> memref<64xf32, #tpu.memory_space<vmem>>
      %dma_start3A_82 = arith.constant 0 : i32
      %dma_start3A_83 = tpu.memref_slice %arg4[%squeeze3A_68, %dma_start3A_82] : memref<1000000x64xf32, #tpu.memory_space<hbm>> -> memref<1x64xf32, #tpu.memory_space<hbm>>
      %dma_start3A_84 = tpu.memref_squeeze %dma_start3A_83 : memref<1x64xf32, #tpu.memory_space<hbm>> -> memref<64xf32, #tpu.memory_space<hbm>>
      tpu.enqueue_dma source(%dma_start3A_84 : memref<64xf32, #tpu.memory_space<hbm>>) target(%dma_start3A_81 : memref<64xf32, #tpu.memory_space<vmem>>) target_semaphore(%arg9 : memref<!tpu.dma_semaphore, #tpu.memory_space<semaphore_mem>>)
      %slice3A_85 = vector.extract_strided_slice %add3A_33 {offsets = [3], sizes = [1], strides = [1]} : vector<16xi32> to vector<1xi32>
      %squeeze3A_86 = vector.extract %slice3A_85[0] : i32 from vector<1xi32>
      %mul3A_87 = arith.constant 16 : i32
      %mul3A_88 = arith.muli %scan3A_20, %mul3A_87 : i32
      %add3A_89 = arith.constant 3 : i32
      %add3A_90 = arith.addi %mul3A_88, %add3A_89 : i32
      %dma_start3A_91 = arith.constant 0 : i32
      %dma_start3A_92 = tpu.memref_slice %arg8[%add3A_90, %dma_start3A_91] : memref<512x64xf32, #tpu.memory_space<vmem>> -> memref<1x64xf32, #tpu.memory_space<vmem>>
      %dma_start3A_93 = tpu.memref_squeeze %dma_start3A_92 : memref<1x64xf32, #tpu.memory_space<vmem>> -> memref<64xf32, #tpu.memory_space<vmem>>
      %dma_start3A_94 = arith.constant 0 : i32
      %dma_start3A_95 = tpu.memref_slice %arg4[%squeeze3A_86, %dma_start3A_94] : memref<1000000x64xf32, #tpu.memory_space<hbm>> -> memref<1x64xf32, #tpu.memory_space<hbm>>
      %dma_start3A_96 = tpu.memref_squeeze %dma_start3A_95 : memref<1x64xf32, #tpu.memory_space<hbm>> -> memref<64xf32, #tpu.memory_space<hbm>>
      %dma_start3A_97 = arith.constant 0 : i32
      %dma_start3A_98 = tpu.memref_slice %arg8[%add3A_90, %dma_start3A_97] : memref<512x64xf32, #tpu.memory_space<vmem>> -> memref<1x64xf32, #tpu.memory_space<vmem>>
      %dma_start3A_99 = tpu.memref_squeeze %dma_start3A_98 : memref<1x64xf32, #tpu.memory_space<vmem>> -> memref<64xf32, #tpu.memory_space<vmem>>
      %dma_start3A_100 = arith.constant 0 : i32
      %dma_start3A_101 = tpu.memref_slice %arg4[%squeeze3A_86, %dma_start3A_100] : memref<1000000x64xf32, #tpu.memory_space<hbm>> -> memref<1x64xf32, #tpu.memory_space<hbm>>
      %dma_start3A_102 = tpu.memref_squeeze %dma_start3A_101 : memref<1x64xf32, #tpu.memory_space<hbm>> -> memref<64xf32, #tpu.memory_space<hbm>>
      tpu.enqueue_dma source(%dma_start3A_102 : memref<64xf32, #tpu.memory_space<hbm>>) target(%dma_start3A_99 : memref<64xf32, #tpu.memory_space<vmem>>) target_semaphore(%arg9 : memref<!tpu.dma_semaphore, #tpu.memory_space<semaphore_mem>>)
      %slice3A_103 = vector.extract_strided_slice %add3A_33 {offsets = [4], sizes = [1], strides = [1]} : vector<16xi32> to vector<1xi32>
      %squeeze3A_104 = vector.extract %slice3A_103[0] : i32 from vector<1xi32>
      %mul3A_105 = arith.constant 16 : i32
      %mul3A_106 = arith.muli %scan3A_20, %mul3A_105 : i32
      %add3A_107 = arith.constant 4 : i32
      %add3A_108 = arith.addi %mul3A_106, %add3A_107 : i32
      %dma_start3A_109 = arith.constant 0 : i32
      %dma_start3A_110 = tpu.memref_slice %arg8[%add3A_108, %dma_start3A_109] : memref<512x64xf32, #tpu.memory_space<vmem>> -> memref<1x64xf32, #tpu.memory_space<vmem>>
      %dma_start3A_111 = tpu.memref_squeeze %dma_start3A_110 : memref<1x64xf32, #tpu.memory_space<vmem>> -> memref<64xf32, #tpu.memory_space<vmem>>
      %dma_start3A_112 = arith.constant 0 : i32
      %dma_start3A_113 = tpu.memref_slice %arg4[%squeeze3A_104, %dma_start3A_112] : memref<1000000x64xf32, #tpu.memory_space<hbm>> -> memref<1x64xf32, #tpu.memory_space<hbm>>
      %dma_start3A_114 = tpu.memref_squeeze %dma_start3A_113 : memref<1x64xf32, #tpu.memory_space<hbm>> -> memref<64xf32, #tpu.memory_space<hbm>>
      %dma_start3A_115 = arith.constant 0 : i32
      %dma_start3A_116 = tpu.memref_slice %arg8[%add3A_108, %dma_start3A_115] : memref<512x64xf32, #tpu.memory_space<vmem>> -> memref<1x64xf32, #tpu.memory_space<vmem>>
      %dma_start3A_117 = tpu.memref_squeeze %dma_start3A_116 : memref<1x64xf32, #tpu.memory_space<vmem>> -> memref<64xf32, #tpu.memory_space<vmem>>
      %dma_start3A_118 = arith.constant 0 : i32
      %dma_start3A_119 = tpu.memref_slice %arg4[%squeeze3A_104, %dma_start3A_118] : memref<1000000x64xf32, #tpu.memory_space<hbm>> -> memref<1x64xf32, #tpu.memory_space<hbm>>
      %dma_start3A_120 = tpu.memref_squeeze %dma_start3A_119 : memref<1x64xf32, #tpu.memory_space<hbm>> -> memref<64xf32, #tpu.memory_space<hbm>>
      tpu.enqueue_dma source(%dma_start3A_120 : memref<64xf32, #tpu.memory_space<hbm>>) target(%dma_start3A_117 : memref<64xf32, #tpu.memory_space<vmem>>) target_semaphore(%arg9 : memref<!tpu.dma_semaphore, #tpu.memory_space<semaphore_mem>>)
      %slice3A_121 = vector.extract_strided_slice %add3A_33 {offsets = [5], sizes = [1], strides = [1]} : vector<16xi32> to vector<1xi32>
      %squeeze3A_122 = vector.extract %slice3A_121[0] : i32 from vector<1xi32>
      %mul3A_123 = arith.constant 16 : i32
      %mul3A_124 = arith.muli %scan3A_20, %mul3A_123 : i32
      %add3A_125 = arith.constant 5 : i32
      %add3A_126 = arith.addi %mul3A_124, %add3A_125 : i32
      %dma_start3A_127 = arith.constant 0 : i32
      %dma_start3A_128 = tpu.memref_slice %arg8[%add3A_126, %dma_start3A_127] : memref<512x64xf32, #tpu.memory_space<vmem>> -> memref<1x64xf32, #tpu.memory_space<vmem>>
      %dma_start3A_129 = tpu.memref_squeeze %dma_start3A_128 : memref<1x64xf32, #tpu.memory_space<vmem>> -> memref<64xf32, #tpu.memory_space<vmem>>
      %dma_start3A_130 = arith.constant 0 : i32
      %dma_start3A_131 = tpu.memref_slice %arg4[%squeeze3A_122, %dma_start3A_130] : memref<1000000x64xf32, #tpu.memory_space<hbm>> -> memref<1x64xf32, #tpu.memory_space<hbm>>
      %dma_start3A_132 = tpu.memref_squeeze %dma_start3A_131 : memref<1x64xf32, #tpu.memory_space<hbm>> -> memref<64xf32, #tpu.memory_space<hbm>>
      %dma_start3A_133 = arith.constant 0 : i32
      %dma_start3A_134 = tpu.memref_slice %arg8[%add3A_126, %dma_start3A_133] : memref<512x64xf32, #tpu.memory_space<vmem>> -> memref<1x64xf32, #tpu.memory_space<vmem>>
      %dma_start3A_135 = tpu.memref_squeeze %dma_start3A_134 : memref<1x64xf32, #tpu.memory_space<vmem>> -> memref<64xf32, #tpu.memory_space<vmem>>
      %dma_start3A_136 = arith.constant 0 : i32
      %dma_start3A_137 = tpu.memref_slice %arg4[%squeeze3A_122, %dma_start3A_136] : memref<1000000x64xf32, #tpu.memory_space<hbm>> -> memref<1x64xf32, #tpu.memory_space<hbm>>
      %dma_start3A_138 = tpu.memref_squeeze %dma_start3A_137 : memref<1x64xf32, #tpu.memory_space<hbm>> -> memref<64xf32, #tpu.memory_space<hbm>>
      tpu.enqueue_dma source(%dma_start3A_138 : memref<64xf32, #tpu.memory_space<hbm>>) target(%dma_start3A_135 : memref<64xf32, #tpu.memory_space<vmem>>) target_semaphore(%arg9 : memref<!tpu.dma_semaphore, #tpu.memory_space<semaphore_mem>>)
      %slice3A_139 = vector.extract_strided_slice %add3A_33 {offsets = [6], sizes = [1], strides = [1]} : vector<16xi32> to vector<1xi32>
      %squeeze3A_140 = vector.extract %slice3A_139[0] : i32 from vector<1xi32>
      %mul3A_141 = arith.constant 16 : i32
      %mul3A_142 = arith.muli %scan3A_20, %mul3A_141 : i32
      %add3A_143 = arith.constant 6 : i32
      %add3A_144 = arith.addi %mul3A_142, %add3A_143 : i32
      %dma_start3A_145 = arith.constant 0 : i32
      %dma_start3A_146 = tpu.memref_slice %arg8[%add3A_144, %dma_start3A_145] : memref<512x64xf32, #tpu.memory_space<vmem>> -> memref<1x64xf32, #tpu.memory_space<vmem>>
      %dma_start3A_147 = tpu.memref_squeeze %dma_start3A_146 : memref<1x64xf32, #tpu.memory_space<vmem>> -> memref<64xf32, #tpu.memory_space<vmem>>
      %dma_start3A_148 = arith.constant 0 : i32
      %dma_start3A_149 = tpu.memref_slice %arg4[%squeeze3A_140, %dma_start3A_148] : memref<1000000x64xf32, #tpu.memory_space<hbm>> -> memref<1x64xf32, #tpu.memory_space<hbm>>
      %dma_start3A_150 = tpu.memref_squeeze %dma_start3A_149 : memref<1x64xf32, #tpu.memory_space<hbm>> -> memref<64xf32, #tpu.memory_space<hbm>>
      %dma_start3A_151 = arith.constant 0 : i32
      %dma_start3A_152 = tpu.memref_slice %arg8[%add3A_144, %dma_start3A_151] : memref<512x64xf32, #tpu.memory_space<vmem>> -> memref<1x64xf32, #tpu.memory_space<vmem>>
      %dma_start3A_153 = tpu.memref_squeeze %dma_start3A_152 : memref<1x64xf32, #tpu.memory_space<vmem>> -> memref<64xf32, #tpu.memory_space<vmem>>
      %dma_start3A_154 = arith.constant 0 : i32
      %dma_start3A_155 = tpu.memref_slice %arg4[%squeeze3A_140, %dma_start3A_154] : memref<1000000x64xf32, #tpu.memory_space<hbm>> -> memref<1x64xf32, #tpu.memory_space<hbm>>
      %dma_start3A_156 = tpu.memref_squeeze %dma_start3A_155 : memref<1x64xf32, #tpu.memory_space<hbm>> -> memref<64xf32, #tpu.memory_space<hbm>>
      tpu.enqueue_dma source(%dma_start3A_156 : memref<64xf32, #tpu.memory_space<hbm>>) target(%dma_start3A_153 : memref<64xf32, #tpu.memory_space<vmem>>) target_semaphore(%arg9 : memref<!tpu.dma_semaphore, #tpu.memory_space<semaphore_mem>>)
      %slice3A_157 = vector.extract_strided_slice %add3A_33 {offsets = [7], sizes = [1], strides = [1]} : vector<16xi32> to vector<1xi32>
      %squeeze3A_158 = vector.extract %slice3A_157[0] : i32 from vector<1xi32>
      %mul3A_159 = arith.constant 16 : i32
      %mul3A_160 = arith.muli %scan3A_20, %mul3A_159 : i32
      %add3A_161 = arith.constant 7 : i32
      %add3A_162 = arith.addi %mul3A_160, %add3A_161 : i32
      %dma_start3A_163 = arith.constant 0 : i32
      %dma_start3A_164 = tpu.memref_slice %arg8[%add3A_162, %dma_start3A_163] : memref<512x64xf32, #tpu.memory_space<vmem>> -> memref<1x64xf32, #tpu.memory_space<vmem>>
      %dma_start3A_165 = tpu.memref_squeeze %dma_start3A_164 : memref<1x64xf32, #tpu.memory_space<vmem>> -> memref<64xf32, #tpu.memory_space<vmem>>
      %dma_start3A_166 = arith.constant 0 : i32
      %dma_start3A_167 = tpu.memref_slice %arg4[%squeeze3A_158, %dma_start3A_166] : memref<1000000x64xf32, #tpu.memory_space<hbm>> -> memref<1x64xf32, #tpu.memory_space<hbm>>
      %dma_start3A_168 = tpu.memref_squeeze %dma_start3A_167 : memref<1x64xf32, #tpu.memory_space<hbm>> -> memref<64xf32, #tpu.memory_space<hbm>>
      %dma_start3A_169 = arith.constant 0 : i32
      %dma_start3A_170 = tpu.memref_slice %arg8[%add3A_162, %dma_start3A_169] : memref<512x64xf32, #tpu.memory_space<vmem>> -> memref<1x64xf32, #tpu.memory_space<vmem>>
      %dma_start3A_171 = tpu.memref_squeeze %dma_start3A_170 : memref<1x64xf32, #tpu.memory_space<vmem>> -> memref<64xf32, #tpu.memory_space<vmem>>
      %dma_start3A_172 = arith.constant 0 : i32
      %dma_start3A_173 = tpu.memref_slice %arg4[%squeeze3A_158, %dma_start3A_172] : memref<1000000x64xf32, #tpu.memory_space<hbm>> -> memref<1x64xf32, #tpu.memory_space<hbm>>
      %dma_start3A_174 = tpu.memref_squeeze %dma_start3A_173 : memref<1x64xf32, #tpu.memory_space<hbm>> -> memref<64xf32, #tpu.memory_space<hbm>>
      tpu.enqueue_dma source(%dma_start3A_174 : memref<64xf32, #tpu.memory_space<hbm>>) target(%dma_start3A_171 : memref<64xf32, #tpu.memory_space<vmem>>) target_semaphore(%arg9 : memref<!tpu.dma_semaphore, #tpu.memory_space<semaphore_mem>>)
      %slice3A_175 = vector.extract_strided_slice %add3A_33 {offsets = [8], sizes = [1], strides = [1]} : vector<16xi32> to vector<1xi32>
      %squeeze3A_176 = vector.extract %slice3A_175[0] : i32 from vector<1xi32>
      %mul3A_177 = arith.constant 16 : i32
      %mul3A_178 = arith.muli %scan3A_20, %mul3A_177 : i32
      %add3A_179 = arith.constant 8 : i32
      %add3A_180 = arith.addi %mul3A_178, %add3A_179 : i32
      %dma_start3A_181 = arith.constant 0 : i32
      %dma_start3A_182 = tpu.memref_slice %arg8[%add3A_180, %dma_start3A_181] : memref<512x64xf32, #tpu.memory_space<vmem>> -> memref<1x64xf32, #tpu.memory_space<vmem>>
      %dma_start3A_183 = tpu.memref_squeeze %dma_start3A_182 : memref<1x64xf32, #tpu.memory_space<vmem>> -> memref<64xf32, #tpu.memory_space<vmem>>
      %dma_start3A_184 = arith.constant 0 : i32
      %dma_start3A_185 = tpu.memref_slice %arg4[%squeeze3A_176, %dma_start3A_184] : memref<1000000x64xf32, #tpu.memory_space<hbm>> -> memref<1x64xf32, #tpu.memory_space<hbm>>
      %dma_start3A_186 = tpu.memref_squeeze %dma_start3A_185 : memref<1x64xf32, #tpu.memory_space<hbm>> -> memref<64xf32, #tpu.memory_space<hbm>>
      %dma_start3A_187 = arith.constant 0 : i32
      %dma_start3A_188 = tpu.memref_slice %arg8[%add3A_180, %dma_start3A_187] : memref<512x64xf32, #tpu.memory_space<vmem>> -> memref<1x64xf32, #tpu.memory_space<vmem>>
      %dma_start3A_189 = tpu.memref_squeeze %dma_start3A_188 : memref<1x64xf32, #tpu.memory_space<vmem>> -> memref<64xf32, #tpu.memory_space<vmem>>
      %dma_start3A_190 = arith.constant 0 : i32
      %dma_start3A_191 = tpu.memref_slice %arg4[%squeeze3A_176, %dma_start3A_190] : memref<1000000x64xf32, #tpu.memory_space<hbm>> -> memref<1x64xf32, #tpu.memory_space<hbm>>
      %dma_start3A_192 = tpu.memref_squeeze %dma_start3A_191 : memref<1x64xf32, #tpu.memory_space<hbm>> -> memref<64xf32, #tpu.memory_space<hbm>>
      tpu.enqueue_dma source(%dma_start3A_192 : memref<64xf32, #tpu.memory_space<hbm>>) target(%dma_start3A_189 : memref<64xf32, #tpu.memory_space<vmem>>) target_semaphore(%arg9 : memref<!tpu.dma_semaphore, #tpu.memory_space<semaphore_mem>>)
      %slice3A_193 = vector.extract_strided_slice %add3A_33 {offsets = [9], sizes = [1], strides = [1]} : vector<16xi32> to vector<1xi32>
      %squeeze3A_194 = vector.extract %slice3A_193[0] : i32 from vector<1xi32>
      %mul3A_195 = arith.constant 16 : i32
      %mul3A_196 = arith.muli %scan3A_20, %mul3A_195 : i32
      %add3A_197 = arith.constant 9 : i32
      %add3A_198 = arith.addi %mul3A_196, %add3A_197 : i32
      %dma_start3A_199 = arith.constant 0 : i32
      %dma_start3A_200 = tpu.memref_slice %arg8[%add3A_198, %dma_start3A_199] : memref<512x64xf32, #tpu.memory_space<vmem>> -> memref<1x64xf32, #tpu.memory_space<vmem>>
      %dma_start3A_201 = tpu.memref_squeeze %dma_start3A_200 : memref<1x64xf32, #tpu.memory_space<vmem>> -> memref<64xf32, #tpu.memory_space<vmem>>
      %dma_start3A_202 = arith.constant 0 : i32
      %dma_start3A_203 = tpu.memref_slice %arg4[%squeeze3A_194, %dma_start3A_202] : memref<1000000x64xf32, #tpu.memory_space<hbm>> -> memref<1x64xf32, #tpu.memory_space<hbm>>
      %dma_start3A_204 = tpu.memref_squeeze %dma_start3A_203 : memref<1x64xf32, #tpu.memory_space<hbm>> -> memref<64xf32, #tpu.memory_space<hbm>>
      %dma_start3A_205 = arith.constant 0 : i32
      %dma_start3A_206 = tpu.memref_slice %arg8[%add3A_198, %dma_start3A_205] : memref<512x64xf32, #tpu.memory_space<vmem>> -> memref<1x64xf32, #tpu.memory_space<vmem>>
      %dma_start3A_207 = tpu.memref_squeeze %dma_start3A_206 : memref<1x64xf32, #tpu.memory_space<vmem>> -> memref<64xf32, #tpu.memory_space<vmem>>
      %dma_start3A_208 = arith.constant 0 : i32
      %dma_start3A_209 = tpu.memref_slice %arg4[%squeeze3A_194, %dma_start3A_208] : memref<1000000x64xf32, #tpu.memory_space<hbm>> -> memref<1x64xf32, #tpu.memory_space<hbm>>
      %dma_start3A_210 = tpu.memref_squeeze %dma_start3A_209 : memref<1x64xf32, #tpu.memory_space<hbm>> -> memref<64xf32, #tpu.memory_space<hbm>>
      tpu.enqueue_dma source(%dma_start3A_210 : memref<64xf32, #tpu.memory_space<hbm>>) target(%dma_start3A_207 : memref<64xf32, #tpu.memory_space<vmem>>) target_semaphore(%arg9 : memref<!tpu.dma_semaphore, #tpu.memory_space<semaphore_mem>>)
      %slice3A_211 = vector.extract_strided_slice %add3A_33 {offsets = [10], sizes = [1], strides = [1]} : vector<16xi32> to vector<1xi32>
      %squeeze3A_212 = vector.extract %slice3A_211[0] : i32 from vector<1xi32>
      %mul3A_213 = arith.constant 16 : i32
      %mul3A_214 = arith.muli %scan3A_20, %mul3A_213 : i32
      %add3A_215 = arith.constant 10 : i32
      %add3A_216 = arith.addi %mul3A_214, %add3A_215 : i32
      %dma_start3A_217 = arith.constant 0 : i32
      %dma_start3A_218 = tpu.memref_slice %arg8[%add3A_216, %dma_start3A_217] : memref<512x64xf32, #tpu.memory_space<vmem>> -> memref<1x64xf32, #tpu.memory_space<vmem>>
      %dma_start3A_219 = tpu.memref_squeeze %dma_start3A_218 : memref<1x64xf32, #tpu.memory_space<vmem>> -> memref<64xf32, #tpu.memory_space<vmem>>
      %dma_start3A_220 = arith.constant 0 : i32
      %dma_start3A_221 = tpu.memref_slice %arg4[%squeeze3A_212, %dma_start3A_220] : memref<1000000x64xf32, #tpu.memory_space<hbm>> -> memref<1x64xf32, #tpu.memory_space<hbm>>
      %dma_start3A_222 = tpu.memref_squeeze %dma_start3A_221 : memref<1x64xf32, #tpu.memory_space<hbm>> -> memref<64xf32, #tpu.memory_space<hbm>>
      %dma_start3A_223 = arith.constant 0 : i32
      %dma_start3A_224 = tpu.memref_slice %arg8[%add3A_216, %dma_start3A_223] : memref<512x64xf32, #tpu.memory_space<vmem>> -> memref<1x64xf32, #tpu.memory_space<vmem>>
      %dma_start3A_225 = tpu.memref_squeeze %dma_start3A_224 : memref<1x64xf32, #tpu.memory_space<vmem>> -> memref<64xf32, #tpu.memory_space<vmem>>
      %dma_start3A_226 = arith.constant 0 : i32
      %dma_start3A_227 = tpu.memref_slice %arg4[%squeeze3A_212, %dma_start3A_226] : memref<1000000x64xf32, #tpu.memory_space<hbm>> -> memref<1x64xf32, #tpu.memory_space<hbm>>
      %dma_start3A_228 = tpu.memref_squeeze %dma_start3A_227 : memref<1x64xf32, #tpu.memory_space<hbm>> -> memref<64xf32, #tpu.memory_space<hbm>>
      tpu.enqueue_dma source(%dma_start3A_228 : memref<64xf32, #tpu.memory_space<hbm>>) target(%dma_start3A_225 : memref<64xf32, #tpu.memory_space<vmem>>) target_semaphore(%arg9 : memref<!tpu.dma_semaphore, #tpu.memory_space<semaphore_mem>>)
      %slice3A_229 = vector.extract_strided_slice %add3A_33 {offsets = [11], sizes = [1], strides = [1]} : vector<16xi32> to vector<1xi32>
      %squeeze3A_230 = vector.extract %slice3A_229[0] : i32 from vector<1xi32>
      %mul3A_231 = arith.constant 16 : i32
      %mul3A_232 = arith.muli %scan3A_20, %mul3A_231 : i32
      %add3A_233 = arith.constant 11 : i32
      %add3A_234 = arith.addi %mul3A_232, %add3A_233 : i32
      %dma_start3A_235 = arith.constant 0 : i32
      %dma_start3A_236 = tpu.memref_slice %arg8[%add3A_234, %dma_start3A_235] : memref<512x64xf32, #tpu.memory_space<vmem>> -> memref<1x64xf32, #tpu.memory_space<vmem>>
      %dma_start3A_237 = tpu.memref_squeeze %dma_start3A_236 : memref<1x64xf32, #tpu.memory_space<vmem>> -> memref<64xf32, #tpu.memory_space<vmem>>
      %dma_start3A_238 = arith.constant 0 : i32
      %dma_start3A_239 = tpu.memref_slice %arg4[%squeeze3A_230, %dma_start3A_238] : memref<1000000x64xf32, #tpu.memory_space<hbm>> -> memref<1x64xf32, #tpu.memory_space<hbm>>
      %dma_start3A_240 = tpu.memref_squeeze %dma_start3A_239 : memref<1x64xf32, #tpu.memory_space<hbm>> -> memref<64xf32, #tpu.memory_space<hbm>>
      %dma_start3A_241 = arith.constant 0 : i32
      %dma_start3A_242 = tpu.memref_slice %arg8[%add3A_234, %dma_start3A_241] : memref<512x64xf32, #tpu.memory_space<vmem>> -> memref<1x64xf32, #tpu.memory_space<vmem>>
      %dma_start3A_243 = tpu.memref_squeeze %dma_start3A_242 : memref<1x64xf32, #tpu.memory_space<vmem>> -> memref<64xf32, #tpu.memory_space<vmem>>
      %dma_start3A_244 = arith.constant 0 : i32
      %dma_start3A_245 = tpu.memref_slice %arg4[%squeeze3A_230, %dma_start3A_244] : memref<1000000x64xf32, #tpu.memory_space<hbm>> -> memref<1x64xf32, #tpu.memory_space<hbm>>
      %dma_start3A_246 = tpu.memref_squeeze %dma_start3A_245 : memref<1x64xf32, #tpu.memory_space<hbm>> -> memref<64xf32, #tpu.memory_space<hbm>>
      tpu.enqueue_dma source(%dma_start3A_246 : memref<64xf32, #tpu.memory_space<hbm>>) target(%dma_start3A_243 : memref<64xf32, #tpu.memory_space<vmem>>) target_semaphore(%arg9 : memref<!tpu.dma_semaphore, #tpu.memory_space<semaphore_mem>>)
      %slice3A_247 = vector.extract_strided_slice %add3A_33 {offsets = [12], sizes = [1], strides = [1]} : vector<16xi32> to vector<1xi32>
      %squeeze3A_248 = vector.extract %slice3A_247[0] : i32 from vector<1xi32>
      %mul3A_249 = arith.constant 16 : i32
      %mul3A_250 = arith.muli %scan3A_20, %mul3A_249 : i32
      %add3A_251 = arith.constant 12 : i32
      %add3A_252 = arith.addi %mul3A_250, %add3A_251 : i32
      %dma_start3A_253 = arith.constant 0 : i32
      %dma_start3A_254 = tpu.memref_slice %arg8[%add3A_252, %dma_start3A_253] : memref<512x64xf32, #tpu.memory_space<vmem>> -> memref<1x64xf32, #tpu.memory_space<vmem>>
      %dma_start3A_255 = tpu.memref_squeeze %dma_start3A_254 : memref<1x64xf32, #tpu.memory_space<vmem>> -> memref<64xf32, #tpu.memory_space<vmem>>
      %dma_start3A_256 = arith.constant 0 : i32
      %dma_start3A_257 = tpu.memref_slice %arg4[%squeeze3A_248, %dma_start3A_256] : memref<1000000x64xf32, #tpu.memory_space<hbm>> -> memref<1x64xf32, #tpu.memory_space<hbm>>
      %dma_start3A_258 = tpu.memref_squeeze %dma_start3A_257 : memref<1x64xf32, #tpu.memory_space<hbm>> -> memref<64xf32, #tpu.memory_space<hbm>>
      %dma_start3A_259 = arith.constant 0 : i32
      %dma_start3A_260 = tpu.memref_slice %arg8[%add3A_252, %dma_start3A_259] : memref<512x64xf32, #tpu.memory_space<vmem>> -> memref<1x64xf32, #tpu.memory_space<vmem>>
      %dma_start3A_261 = tpu.memref_squeeze %dma_start3A_260 : memref<1x64xf32, #tpu.memory_space<vmem>> -> memref<64xf32, #tpu.memory_space<vmem>>
      %dma_start3A_262 = arith.constant 0 : i32
      %dma_start3A_263 = tpu.memref_slice %arg4[%squeeze3A_248, %dma_start3A_262] : memref<1000000x64xf32, #tpu.memory_space<hbm>> -> memref<1x64xf32, #tpu.memory_space<hbm>>
      %dma_start3A_264 = tpu.memref_squeeze %dma_start3A_263 : memref<1x64xf32, #tpu.memory_space<hbm>> -> memref<64xf32, #tpu.memory_space<hbm>>
      tpu.enqueue_dma source(%dma_start3A_264 : memref<64xf32, #tpu.memory_space<hbm>>) target(%dma_start3A_261 : memref<64xf32, #tpu.memory_space<vmem>>) target_semaphore(%arg9 : memref<!tpu.dma_semaphore, #tpu.memory_space<semaphore_mem>>)
      %slice3A_265 = vector.extract_strided_slice %add3A_33 {offsets = [13], sizes = [1], strides = [1]} : vector<16xi32> to vector<1xi32>
      %squeeze3A_266 = vector.extract %slice3A_265[0] : i32 from vector<1xi32>
      %mul3A_267 = arith.constant 16 : i32
      %mul3A_268 = arith.muli %scan3A_20, %mul3A_267 : i32
      %add3A_269 = arith.constant 13 : i32
      %add3A_270 = arith.addi %mul3A_268, %add3A_269 : i32
      %dma_start3A_271 = arith.constant 0 : i32
      %dma_start3A_272 = tpu.memref_slice %arg8[%add3A_270, %dma_start3A_271] : memref<512x64xf32, #tpu.memory_space<vmem>> -> memref<1x64xf32, #tpu.memory_space<vmem>>
      %dma_start3A_273 = tpu.memref_squeeze %dma_start3A_272 : memref<1x64xf32, #tpu.memory_space<vmem>> -> memref<64xf32, #tpu.memory_space<vmem>>
      %dma_start3A_274 = arith.constant 0 : i32
      %dma_start3A_275 = tpu.memref_slice %arg4[%squeeze3A_266, %dma_start3A_274] : memref<1000000x64xf32, #tpu.memory_space<hbm>> -> memref<1x64xf32, #tpu.memory_space<hbm>>
      %dma_start3A_276 = tpu.memref_squeeze %dma_start3A_275 : memref<1x64xf32, #tpu.memory_space<hbm>> -> memref<64xf32, #tpu.memory_space<hbm>>
      %dma_start3A_277 = arith.constant 0 : i32
      %dma_start3A_278 = tpu.memref_slice %arg8[%add3A_270, %dma_start3A_277] : memref<512x64xf32, #tpu.memory_space<vmem>> -> memref<1x64xf32, #tpu.memory_space<vmem>>
      %dma_start3A_279 = tpu.memref_squeeze %dma_start3A_278 : memref<1x64xf32, #tpu.memory_space<vmem>> -> memref<64xf32, #tpu.memory_space<vmem>>
      %dma_start3A_280 = arith.constant 0 : i32
      %dma_start3A_281 = tpu.memref_slice %arg4[%squeeze3A_266, %dma_start3A_280] : memref<1000000x64xf32, #tpu.memory_space<hbm>> -> memref<1x64xf32, #tpu.memory_space<hbm>>
      %dma_start3A_282 = tpu.memref_squeeze %dma_start3A_281 : memref<1x64xf32, #tpu.memory_space<hbm>> -> memref<64xf32, #tpu.memory_space<hbm>>
      tpu.enqueue_dma source(%dma_start3A_282 : memref<64xf32, #tpu.memory_space<hbm>>) target(%dma_start3A_279 : memref<64xf32, #tpu.memory_space<vmem>>) target_semaphore(%arg9 : memref<!tpu.dma_semaphore, #tpu.memory_space<semaphore_mem>>)
      %slice3A_283 = vector.extract_strided_slice %add3A_33 {offsets = [14], sizes = [1], strides = [1]} : vector<16xi32> to vector<1xi32>
      %squeeze3A_284 = vector.extract %slice3A_283[0] : i32 from vector<1xi32>
      %mul3A_285 = arith.constant 16 : i32
      %mul3A_286 = arith.muli %scan3A_20, %mul3A_285 : i32
      %add3A_287 = arith.constant 14 : i32
      %add3A_288 = arith.addi %mul3A_286, %add3A_287 : i32
      %dma_start3A_289 = arith.constant 0 : i32
      %dma_start3A_290 = tpu.memref_slice %arg8[%add3A_288, %dma_start3A_289] : memref<512x64xf32, #tpu.memory_space<vmem>> -> memref<1x64xf32, #tpu.memory_space<vmem>>
      %dma_start3A_291 = tpu.memref_squeeze %dma_start3A_290 : memref<1x64xf32, #tpu.memory_space<vmem>> -> memref<64xf32, #tpu.memory_space<vmem>>
      %dma_start3A_292 = arith.constant 0 : i32
      %dma_start3A_293 = tpu.memref_slice %arg4[%squeeze3A_284, %dma_start3A_292] : memref<1000000x64xf32, #tpu.memory_space<hbm>> -> memref<1x64xf32, #tpu.memory_space<hbm>>
      %dma_start3A_294 = tpu.memref_squeeze %dma_start3A_293 : memref<1x64xf32, #tpu.memory_space<hbm>> -> memref<64xf32, #tpu.memory_space<hbm>>
      %dma_start3A_295 = arith.constant 0 : i32
      %dma_start3A_296 = tpu.memref_slice %arg8[%add3A_288, %dma_start3A_295] : memref<512x64xf32, #tpu.memory_space<vmem>> -> memref<1x64xf32, #tpu.memory_space<vmem>>
      %dma_start3A_297 = tpu.memref_squeeze %dma_start3A_296 : memref<1x64xf32, #tpu.memory_space<vmem>> -> memref<64xf32, #tpu.memory_space<vmem>>
      %dma_start3A_298 = arith.constant 0 : i32
      %dma_start3A_299 = tpu.memref_slice %arg4[%squeeze3A_284, %dma_start3A_298] : memref<1000000x64xf32, #tpu.memory_space<hbm>> -> memref<1x64xf32, #tpu.memory_space<hbm>>
      %dma_start3A_300 = tpu.memref_squeeze %dma_start3A_299 : memref<1x64xf32, #tpu.memory_space<hbm>> -> memref<64xf32, #tpu.memory_space<hbm>>
      tpu.enqueue_dma source(%dma_start3A_300 : memref<64xf32, #tpu.memory_space<hbm>>) target(%dma_start3A_297 : memref<64xf32, #tpu.memory_space<vmem>>) target_semaphore(%arg9 : memref<!tpu.dma_semaphore, #tpu.memory_space<semaphore_mem>>)
      %slice3A_301 = vector.extract_strided_slice %add3A_33 {offsets = [15], sizes = [1], strides = [1]} : vector<16xi32> to vector<1xi32>
      %squeeze3A_302 = vector.extract %slice3A_301[0] : i32 from vector<1xi32>
      %mul3A_303 = arith.constant 16 : i32
      %mul3A_304 = arith.muli %scan3A_20, %mul3A_303 : i32
      %add3A_305 = arith.constant 15 : i32
      %add3A_306 = arith.addi %mul3A_304, %add3A_305 : i32
      %dma_start3A_307 = arith.constant 0 : i32
      %dma_start3A_308 = tpu.memref_slice %arg8[%add3A_306, %dma_start3A_307] : memref<512x64xf32, #tpu.memory_space<vmem>> -> memref<1x64xf32, #tpu.memory_space<vmem>>
      %dma_start3A_309 = tpu.memref_squeeze %dma_start3A_308 : memref<1x64xf32, #tpu.memory_space<vmem>> -> memref<64xf32, #tpu.memory_space<vmem>>
      %dma_start3A_310 = arith.constant 0 : i32
      %dma_start3A_311 = tpu.memref_slice %arg4[%squeeze3A_302, %dma_start3A_310] : memref<1000000x64xf32, #tpu.memory_space<hbm>> -> memref<1x64xf32, #tpu.memory_space<hbm>>
      %dma_start3A_312 = tpu.memref_squeeze %dma_start3A_311 : memref<1x64xf32, #tpu.memory_space<hbm>> -> memref<64xf32, #tpu.memory_space<hbm>>
      %dma_start3A_313 = arith.constant 0 : i32
      %dma_start3A_314 = tpu.memref_slice %arg8[%add3A_306, %dma_start3A_313] : memref<512x64xf32, #tpu.memory_space<vmem>> -> memref<1x64xf32, #tpu.memory_space<vmem>>
      %dma_start3A_315 = tpu.memref_squeeze %dma_start3A_314 : memref<1x64xf32, #tpu.memory_space<vmem>> -> memref<64xf32, #tpu.memory_space<vmem>>
      %dma_start3A_316 = arith.constant 0 : i32
      %dma_start3A_317 = tpu.memref_slice %arg4[%squeeze3A_302, %dma_start3A_316] : memref<1000000x64xf32, #tpu.memory_space<hbm>> -> memref<1x64xf32, #tpu.memory_space<hbm>>
      %dma_start3A_318 = tpu.memref_squeeze %dma_start3A_317 : memref<1x64xf32, #tpu.memory_space<hbm>> -> memref<64xf32, #tpu.memory_space<hbm>>
      tpu.enqueue_dma source(%dma_start3A_318 : memref<64xf32, #tpu.memory_space<hbm>>) target(%dma_start3A_315 : memref<64xf32, #tpu.memory_space<vmem>>) target_semaphore(%arg9 : memref<!tpu.dma_semaphore, #tpu.memory_space<semaphore_mem>>)
      %dma_wait3A = arith.constant 0 : i32
      %dma_wait3A_319 = arith.constant 0 : i32
      %dma_wait3A_320 = arith.constant 0 : i32
      %dma_wait3A_321 = tpu.memref_slice %arg8[%dma_wait3A_319, %dma_wait3A_320] : memref<512x64xf32, #tpu.memory_space<vmem>> -> memref<1x64xf32, #tpu.memory_space<vmem>>
      %dma_wait3A_322 = tpu.memref_squeeze %dma_wait3A_321 : memref<1x64xf32, #tpu.memory_space<vmem>> -> memref<64xf32, #tpu.memory_space<vmem>>
      %dma_wait3A_323 = arith.constant 0 : i32
      %dma_wait3A_324 = tpu.memref_slice %arg4[%dma_wait3A, %dma_wait3A_323] : memref<1000000x64xf32, #tpu.memory_space<hbm>> -> memref<1x64xf32, #tpu.memory_space<hbm>>
      %dma_wait3A_325 = tpu.memref_squeeze %dma_wait3A_324 : memref<1x64xf32, #tpu.memory_space<hbm>> -> memref<64xf32, #tpu.memory_space<hbm>>
      %dma_wait3A_326 = arith.constant 0 : i32
      %dma_wait3A_327 = tpu.memref_slice %arg8[%dma_wait3A_319, %dma_wait3A_326] : memref<512x64xf32, #tpu.memory_space<vmem>> -> memref<1x64xf32, #tpu.memory_space<vmem>>
      %dma_wait3A_328 = tpu.memref_squeeze %dma_wait3A_327 : memref<1x64xf32, #tpu.memory_space<vmem>> -> memref<64xf32, #tpu.memory_space<vmem>>
      %dma_wait3A_329 = arith.constant 0 : i32
      %dma_wait3A_330 = tpu.memref_slice %arg4[%dma_wait3A, %dma_wait3A_329] : memref<1000000x64xf32, #tpu.memory_space<hbm>> -> memref<1x64xf32, #tpu.memory_space<hbm>>
      %dma_wait3A_331 = tpu.memref_squeeze %dma_wait3A_330 : memref<1x64xf32, #tpu.memory_space<hbm>> -> memref<64xf32, #tpu.memory_space<hbm>>
      tpu.wait_dma2 semaphore(%arg9 : memref<!tpu.dma_semaphore, #tpu.memory_space<semaphore_mem>>) src(%dma_wait3A_331 : memref<64xf32, #tpu.memory_space<hbm>>) dst(%dma_wait3A_328 : memref<64xf32, #tpu.memory_space<vmem>>)
      %dma_wait3A_332 = arith.constant 0 : i32
      %dma_wait3A_333 = arith.constant 0 : i32
      %dma_wait3A_334 = arith.constant 0 : i32
      %dma_wait3A_335 = tpu.memref_slice %arg8[%dma_wait3A_333, %dma_wait3A_334] : memref<512x64xf32, #tpu.memory_space<vmem>> -> memref<1x64xf32, #tpu.memory_space<vmem>>
      %dma_wait3A_336 = tpu.memref_squeeze %dma_wait3A_335 : memref<1x64xf32, #tpu.memory_space<vmem>> -> memref<64xf32, #tpu.memory_space<vmem>>
      %dma_wait3A_337 = arith.constant 0 : i32
      %dma_wait3A_338 = tpu.memref_slice %arg4[%dma_wait3A_332, %dma_wait3A_337] : memref<1000000x64xf32, #tpu.memory_space<hbm>> -> memref<1x64xf32, #tpu.memory_space<hbm>>
      %dma_wait3A_339 = tpu.memref_squeeze %dma_wait3A_338 : memref<1x64xf32, #tpu.memory_space<hbm>> -> memref<64xf32, #tpu.memory_space<hbm>>
      %dma_wait3A_340 = arith.constant 0 : i32
      %dma_wait3A_341 = tpu.memref_slice %arg8[%dma_wait3A_333, %dma_wait3A_340] : memref<512x64xf32, #tpu.memory_space<vmem>> -> memref<1x64xf32, #tpu.memory_space<vmem>>
      %dma_wait3A_342 = tpu.memref_squeeze %dma_wait3A_341 : memref<1x64xf32, #tpu.memory_space<vmem>> -> memref<64xf32, #tpu.memory_space<vmem>>
      %dma_wait3A_343 = arith.constant 0 : i32
      %dma_wait3A_344 = tpu.memref_slice %arg4[%dma_wait3A_332, %dma_wait3A_343] : memref<1000000x64xf32, #tpu.memory_space<hbm>> -> memref<1x64xf32, #tpu.memory_space<hbm>>
      %dma_wait3A_345 = tpu.memref_squeeze %dma_wait3A_344 : memref<1x64xf32, #tpu.memory_space<hbm>> -> memref<64xf32, #tpu.memory_space<hbm>>
      tpu.wait_dma2 semaphore(%arg9 : memref<!tpu.dma_semaphore, #tpu.memory_space<semaphore_mem>>) src(%dma_wait3A_345 : memref<64xf32, #tpu.memory_space<hbm>>) dst(%dma_wait3A_342 : memref<64xf32, #tpu.memory_space<vmem>>)
      %dma_wait3A_346 = arith.constant 0 : i32
      %dma_wait3A_347 = arith.constant 0 : i32
      %dma_wait3A_348 = arith.constant 0 : i32
      %dma_wait3A_349 = tpu.memref_slice %arg8[%dma_wait3A_347, %dma_wait3A_348] : memref<512x64xf32, #tpu.memory_space<vmem>> -> memref<1x64xf32, #tpu.memory_space<vmem>>
      %dma_wait3A_350 = tpu.memref_squeeze %dma_wait3A_349 : memref<1x64xf32, #tpu.memory_space<vmem>> -> memref<64xf32, #tpu.memory_space<vmem>>
      %dma_wait3A_351 = arith.constant 0 : i32
      %dma_wait3A_352 = tpu.memref_slice %arg4[%dma_wait3A_346, %dma_wait3A_351] : memref<1000000x64xf32, #tpu.memory_space<hbm>> -> memref<1x64xf32, #tpu.memory_space<hbm>>
      %dma_wait3A_353 = tpu.memref_squeeze %dma_wait3A_352 : memref<1x64xf32, #tpu.memory_space<hbm>> -> memref<64xf32, #tpu.memory_space<hbm>>
      %dma_wait3A_354 = arith.constant 0 : i32
      %dma_wait3A_355 = tpu.memref_slice %arg8[%dma_wait3A_347, %dma_wait3A_354] : memref<512x64xf32, #tpu.memory_space<vmem>> -> memref<1x64xf32, #tpu.memory_space<vmem>>
      %dma_wait3A_356 = tpu.memref_squeeze %dma_wait3A_355 : memref<1x64xf32, #tpu.memory_space<vmem>> -> memref<64xf32, #tpu.memory_space<vmem>>
      %dma_wait3A_357 = arith.constant 0 : i32
      %dma_wait3A_358 = tpu.memref_slice %arg4[%dma_wait3A_346, %dma_wait3A_357] : memref<1000000x64xf32, #tpu.memory_space<hbm>> -> memref<1x64xf32, #tpu.memory_space<hbm>>
      %dma_wait3A_359 = tpu.memref_squeeze %dma_wait3A_358 : memref<1x64xf32, #tpu.memory_space<hbm>> -> memref<64xf32, #tpu.memory_space<hbm>>
      tpu.wait_dma2 semaphore(%arg9 : memref<!tpu.dma_semaphore, #tpu.memory_space<semaphore_mem>>) src(%dma_wait3A_359 : memref<64xf32, #tpu.memory_space<hbm>>) dst(%dma_wait3A_356 : memref<64xf32, #tpu.memory_space<vmem>>)
      %dma_wait3A_360 = arith.constant 0 : i32
      %dma_wait3A_361 = arith.constant 0 : i32
      %dma_wait3A_362 = arith.constant 0 : i32
      %dma_wait3A_363 = tpu.memref_slice %arg8[%dma_wait3A_361, %dma_wait3A_362] : memref<512x64xf32, #tpu.memory_space<vmem>> -> memref<1x64xf32, #tpu.memory_space<vmem>>
      %dma_wait3A_364 = tpu.memref_squeeze %dma_wait3A_363 : memref<1x64xf32, #tpu.memory_space<vmem>> -> memref<64xf32, #tpu.memory_space<vmem>>
      %dma_wait3A_365 = arith.constant 0 : i32
      %dma_wait3A_366 = tpu.memref_slice %arg4[%dma_wait3A_360, %dma_wait3A_365] : memref<1000000x64xf32, #tpu.memory_space<hbm>> -> memref<1x64xf32, #tpu.memory_space<hbm>>
      %dma_wait3A_367 = tpu.memref_squeeze %dma_wait3A_366 : memref<1x64xf32, #tpu.memory_space<hbm>> -> memref<64xf32, #tpu.memory_space<hbm>>
      %dma_wait3A_368 = arith.constant 0 : i32
      %dma_wait3A_369 = tpu.memref_slice %arg8[%dma_wait3A_361, %dma_wait3A_368] : memref<512x64xf32, #tpu.memory_space<vmem>> -> memref<1x64xf32, #tpu.memory_space<vmem>>
      %dma_wait3A_370 = tpu.memref_squeeze %dma_wait3A_369 : memref<1x64xf32, #tpu.memory_space<vmem>> -> memref<64xf32, #tpu.memory_space<vmem>>
      %dma_wait3A_371 = arith.constant 0 : i32
      %dma_wait3A_372 = tpu.memref_slice %arg4[%dma_wait3A_360, %dma_wait3A_371] : memref<1000000x64xf32, #tpu.memory_space<hbm>> -> memref<1x64xf32, #tpu.memory_space<hbm>>
      %dma_wait3A_373 = tpu.memref_squeeze %dma_wait3A_372 : memref<1x64xf32, #tpu.memory_space<hbm>> -> memref<64xf32, #tpu.memory_space<hbm>>
      tpu.wait_dma2 semaphore(%arg9 : memref<!tpu.dma_semaphore, #tpu.memory_space<semaphore_mem>>) src(%dma_wait3A_373 : memref<64xf32, #tpu.memory_space<hbm>>) dst(%dma_wait3A_370 : memref<64xf32, #tpu.memory_space<vmem>>)
      %dma_wait3A_374 = arith.constant 0 : i32
      %dma_wait3A_375 = arith.constant 0 : i32
      %dma_wait3A_376 = arith.constant 0 : i32
      %dma_wait3A_377 = tpu.memref_slice %arg8[%dma_wait3A_375, %dma_wait3A_376] : memref<512x64xf32, #tpu.memory_space<vmem>> -> memref<1x64xf32, #tpu.memory_space<vmem>>
      %dma_wait3A_378 = tpu.memref_squeeze %dma_wait3A_377 : memref<1x64xf32, #tpu.memory_space<vmem>> -> memref<64xf32, #tpu.memory_space<vmem>>
      %dma_wait3A_379 = arith.constant 0 : i32
      %dma_wait3A_380 = tpu.memref_slice %arg4[%dma_wait3A_374, %dma_wait3A_379] : memref<1000000x64xf32, #tpu.memory_space<hbm>> -> memref<1x64xf32, #tpu.memory_space<hbm>>
      %dma_wait3A_381 = tpu.memref_squeeze %dma_wait3A_380 : memref<1x64xf32, #tpu.memory_space<hbm>> -> memref<64xf32, #tpu.memory_space<hbm>>
      %dma_wait3A_382 = arith.constant 0 : i32
      %dma_wait3A_383 = tpu.memref_slice %arg8[%dma_wait3A_375, %dma_wait3A_382] : memref<512x64xf32, #tpu.memory_space<vmem>> -> memref<1x64xf32, #tpu.memory_space<vmem>>
      %dma_wait3A_384 = tpu.memref_squeeze %dma_wait3A_383 : memref<1x64xf32, #tpu.memory_space<vmem>> -> memref<64xf32, #tpu.memory_space<vmem>>
      %dma_wait3A_385 = arith.constant 0 : i32
      %dma_wait3A_386 = tpu.memref_slice %arg4[%dma_wait3A_374, %dma_wait3A_385] : memref<1000000x64xf32, #tpu.memory_space<hbm>> -> memref<1x64xf32, #tpu.memory_space<hbm>>
      %dma_wait3A_387 = tpu.memref_squeeze %dma_wait3A_386 : memref<1x64xf32, #tpu.memory_space<hbm>> -> memref<64xf32, #tpu.memory_space<hbm>>
      tpu.wait_dma2 semaphore(%arg9 : memref<!tpu.dma_semaphore, #tpu.memory_space<semaphore_mem>>) src(%dma_wait3A_387 : memref<64xf32, #tpu.memory_space<hbm>>) dst(%dma_wait3A_384 : memref<64xf32, #tpu.memory_space<vmem>>)
      %dma_wait3A_388 = arith.constant 0 : i32
      %dma_wait3A_389 = arith.constant 0 : i32
      %dma_wait3A_390 = arith.constant 0 : i32
      %dma_wait3A_391 = tpu.memref_slice %arg8[%dma_wait3A_389, %dma_wait3A_390] : memref<512x64xf32, #tpu.memory_space<vmem>> -> memref<1x64xf32, #tpu.memory_space<vmem>>
      %dma_wait3A_392 = tpu.memref_squeeze %dma_wait3A_391 : memref<1x64xf32, #tpu.memory_space<vmem>> -> memref<64xf32, #tpu.memory_space<vmem>>
      %dma_wait3A_393 = arith.constant 0 : i32
      %dma_wait3A_394 = tpu.memref_slice %arg4[%dma_wait3A_388, %dma_wait3A_393] : memref<1000000x64xf32, #tpu.memory_space<hbm>> -> memref<1x64xf32, #tpu.memory_space<hbm>>
      %dma_wait3A_395 = tpu.memref_squeeze %dma_wait3A_394 : memref<1x64xf32, #tpu.memory_space<hbm>> -> memref<64xf32, #tpu.memory_space<hbm>>
      %dma_wait3A_396 = arith.constant 0 : i32
      %dma_wait3A_397 = tpu.memref_slice %arg8[%dma_wait3A_389, %dma_wait3A_396] : memref<512x64xf32, #tpu.memory_space<vmem>> -> memref<1x64xf32, #tpu.memory_space<vmem>>
      %dma_wait3A_398 = tpu.memref_squeeze %dma_wait3A_397 : memref<1x64xf32, #tpu.memory_space<vmem>> -> memref<64xf32, #tpu.memory_space<vmem>>
      %dma_wait3A_399 = arith.constant 0 : i32
      %dma_wait3A_400 = tpu.memref_slice %arg4[%dma_wait3A_388, %dma_wait3A_399] : memref<1000000x64xf32, #tpu.memory_space<hbm>> -> memref<1x64xf32, #tpu.memory_space<hbm>>
      %dma_wait3A_401 = tpu.memref_squeeze %dma_wait3A_400 : memref<1x64xf32, #tpu.memory_space<hbm>> -> memref<64xf32, #tpu.memory_space<hbm>>
      tpu.wait_dma2 semaphore(%arg9 : memref<!tpu.dma_semaphore, #tpu.memory_space<semaphore_mem>>) src(%dma_wait3A_401 : memref<64xf32, #tpu.memory_space<hbm>>) dst(%dma_wait3A_398 : memref<64xf32, #tpu.memory_space<vmem>>)
      %dma_wait3A_402 = arith.constant 0 : i32
      %dma_wait3A_403 = arith.constant 0 : i32
      %dma_wait3A_404 = arith.constant 0 : i32
      %dma_wait3A_405 = tpu.memref_slice %arg8[%dma_wait3A_403, %dma_wait3A_404] : memref<512x64xf32, #tpu.memory_space<vmem>> -> memref<1x64xf32, #tpu.memory_space<vmem>>
      %dma_wait3A_406 = tpu.memref_squeeze %dma_wait3A_405 : memref<1x64xf32, #tpu.memory_space<vmem>> -> memref<64xf32, #tpu.memory_space<vmem>>
      %dma_wait3A_407 = arith.constant 0 : i32
      %dma_wait3A_408 = tpu.memref_slice %arg4[%dma_wait3A_402, %dma_wait3A_407] : memref<1000000x64xf32, #tpu.memory_space<hbm>> -> memref<1x64xf32, #tpu.memory_space<hbm>>
      %dma_wait3A_409 = tpu.memref_squeeze %dma_wait3A_408 : memref<1x64xf32, #tpu.memory_space<hbm>> -> memref<64xf32, #tpu.memory_space<hbm>>
      %dma_wait3A_410 = arith.constant 0 : i32
      %dma_wait3A_411 = tpu.memref_slice %arg8[%dma_wait3A_403, %dma_wait3A_410] : memref<512x64xf32, #tpu.memory_space<vmem>> -> memref<1x64xf32, #tpu.memory_space<vmem>>
      %dma_wait3A_412 = tpu.memref_squeeze %dma_wait3A_411 : memref<1x64xf32, #tpu.memory_space<vmem>> -> memref<64xf32, #tpu.memory_space<vmem>>
      %dma_wait3A_413 = arith.constant 0 : i32
      %dma_wait3A_414 = tpu.memref_slice %arg4[%dma_wait3A_402, %dma_wait3A_413] : memref<1000000x64xf32, #tpu.memory_space<hbm>> -> memref<1x64xf32, #tpu.memory_space<hbm>>
      %dma_wait3A_415 = tpu.memref_squeeze %dma_wait3A_414 : memref<1x64xf32, #tpu.memory_space<hbm>> -> memref<64xf32, #tpu.memory_space<hbm>>
      tpu.wait_dma2 semaphore(%arg9 : memref<!tpu.dma_semaphore, #tpu.memory_space<semaphore_mem>>) src(%dma_wait3A_415 : memref<64xf32, #tpu.memory_space<hbm>>) dst(%dma_wait3A_412 : memref<64xf32, #tpu.memory_space<vmem>>)
      %dma_wait3A_416 = arith.constant 0 : i32
      %dma_wait3A_417 = arith.constant 0 : i32
      %dma_wait3A_418 = arith.constant 0 : i32
      %dma_wait3A_419 = tpu.memref_slice %arg8[%dma_wait3A_417, %dma_wait3A_418] : memref<512x64xf32, #tpu.memory_space<vmem>> -> memref<1x64xf32, #tpu.memory_space<vmem>>
      %dma_wait3A_420 = tpu.memref_squeeze %dma_wait3A_419 : memref<1x64xf32, #tpu.memory_space<vmem>> -> memref<64xf32, #tpu.memory_space<vmem>>
      %dma_wait3A_421 = arith.constant 0 : i32
      %dma_wait3A_422 = tpu.memref_slice %arg4[%dma_wait3A_416, %dma_wait3A_421] : memref<1000000x64xf32, #tpu.memory_space<hbm>> -> memref<1x64xf32, #tpu.memory_space<hbm>>
      %dma_wait3A_423 = tpu.memref_squeeze %dma_wait3A_422 : memref<1x64xf32, #tpu.memory_space<hbm>> -> memref<64xf32, #tpu.memory_space<hbm>>
      %dma_wait3A_424 = arith.constant 0 : i32
      %dma_wait3A_425 = tpu.memref_slice %arg8[%dma_wait3A_417, %dma_wait3A_424] : memref<512x64xf32, #tpu.memory_space<vmem>> -> memref<1x64xf32, #tpu.memory_space<vmem>>
      %dma_wait3A_426 = tpu.memref_squeeze %dma_wait3A_425 : memref<1x64xf32, #tpu.memory_space<vmem>> -> memref<64xf32, #tpu.memory_space<vmem>>
      %dma_wait3A_427 = arith.constant 0 : i32
      %dma_wait3A_428 = tpu.memref_slice %arg4[%dma_wait3A_416, %dma_wait3A_427] : memref<1000000x64xf32, #tpu.memory_space<hbm>> -> memref<1x64xf32, #tpu.memory_space<hbm>>
      %dma_wait3A_429 = tpu.memref_squeeze %dma_wait3A_428 : memref<1x64xf32, #tpu.memory_space<hbm>> -> memref<64xf32, #tpu.memory_space<hbm>>
      tpu.wait_dma2 semaphore(%arg9 : memref<!tpu.dma_semaphore, #tpu.memory_space<semaphore_mem>>) src(%dma_wait3A_429 : memref<64xf32, #tpu.memory_space<hbm>>) dst(%dma_wait3A_426 : memref<64xf32, #tpu.memory_space<vmem>>)
      %dma_wait3A_430 = arith.constant 0 : i32
      %dma_wait3A_431 = arith.constant 0 : i32
      %dma_wait3A_432 = arith.constant 0 : i32
      %dma_wait3A_433 = tpu.memref_slice %arg8[%dma_wait3A_431, %dma_wait3A_432] : memref<512x64xf32, #tpu.memory_space<vmem>> -> memref<1x64xf32, #tpu.memory_space<vmem>>
      %dma_wait3A_434 = tpu.memref_squeeze %dma_wait3A_433 : memref<1x64xf32, #tpu.memory_space<vmem>> -> memref<64xf32, #tpu.memory_space<vmem>>
      %dma_wait3A_435 = arith.constant 0 : i32
      %dma_wait3A_436 = tpu.memref_slice %arg4[%dma_wait3A_430, %dma_wait3A_435] : memref<1000000x64xf32, #tpu.memory_space<hbm>> -> memref<1x64xf32, #tpu.memory_space<hbm>>
      %dma_wait3A_437 = tpu.memref_squeeze %dma_wait3A_436 : memref<1x64xf32, #tpu.memory_space<hbm>> -> memref<64xf32, #tpu.memory_space<hbm>>
      %dma_wait3A_438 = arith.constant 0 : i32
      %dma_wait3A_439 = tpu.memref_slice %arg8[%dma_wait3A_431, %dma_wait3A_438] : memref<512x64xf32, #tpu.memory_space<vmem>> -> memref<1x64xf32, #tpu.memory_space<vmem>>
      %dma_wait3A_440 = tpu.memref_squeeze %dma_wait3A_439 : memref<1x64xf32, #tpu.memory_space<vmem>> -> memref<64xf32, #tpu.memory_space<vmem>>
      %dma_wait3A_441 = arith.constant 0 : i32
      %dma_wait3A_442 = tpu.memref_slice %arg4[%dma_wait3A_430, %dma_wait3A_441] : memref<1000000x64xf32, #tpu.memory_space<hbm>> -> memref<1x64xf32, #tpu.memory_space<hbm>>
      %dma_wait3A_443 = tpu.memref_squeeze %dma_wait3A_442 : memref<1x64xf32, #tpu.memory_space<hbm>> -> memref<64xf32, #tpu.memory_space<hbm>>
      tpu.wait_dma2 semaphore(%arg9 : memref<!tpu.dma_semaphore, #tpu.memory_space<semaphore_mem>>) src(%dma_wait3A_443 : memref<64xf32, #tpu.memory_space<hbm>>) dst(%dma_wait3A_440 : memref<64xf32, #tpu.memory_space<vmem>>)
      %dma_wait3A_444 = arith.constant 0 : i32
      %dma_wait3A_445 = arith.constant 0 : i32
      %dma_wait3A_446 = arith.constant 0 : i32
      %dma_wait3A_447 = tpu.memref_slice %arg8[%dma_wait3A_445, %dma_wait3A_446] : memref<512x64xf32, #tpu.memory_space<vmem>> -> memref<1x64xf32, #tpu.memory_space<vmem>>
      %dma_wait3A_448 = tpu.memref_squeeze %dma_wait3A_447 : memref<1x64xf32, #tpu.memory_space<vmem>> -> memref<64xf32, #tpu.memory_space<vmem>>
      %dma_wait3A_449 = arith.constant 0 : i32
      %dma_wait3A_450 = tpu.memref_slice %arg4[%dma_wait3A_444, %dma_wait3A_449] : memref<1000000x64xf32, #tpu.memory_space<hbm>> -> memref<1x64xf32, #tpu.memory_space<hbm>>
      %dma_wait3A_451 = tpu.memref_squeeze %dma_wait3A_450 : memref<1x64xf32, #tpu.memory_space<hbm>> -> memref<64xf32, #tpu.memory_space<hbm>>
      %dma_wait3A_452 = arith.constant 0 : i32
      %dma_wait3A_453 = tpu.memref_slice %arg8[%dma_wait3A_445, %dma_wait3A_452] : memref<512x64xf32, #tpu.memory_space<vmem>> -> memref<1x64xf32, #tpu.memory_space<vmem>>
      %dma_wait3A_454 = tpu.memref_squeeze %dma_wait3A_453 : memref<1x64xf32, #tpu.memory_space<vmem>> -> memref<64xf32, #tpu.memory_space<vmem>>
      %dma_wait3A_455 = arith.constant 0 : i32
      %dma_wait3A_456 = tpu.memref_slice %arg4[%dma_wait3A_444, %dma_wait3A_455] : memref<1000000x64xf32, #tpu.memory_space<hbm>> -> memref<1x64xf32, #tpu.memory_space<hbm>>
      %dma_wait3A_457 = tpu.memref_squeeze %dma_wait3A_456 : memref<1x64xf32, #tpu.memory_space<hbm>> -> memref<64xf32, #tpu.memory_space<hbm>>
      tpu.wait_dma2 semaphore(%arg9 : memref<!tpu.dma_semaphore, #tpu.memory_space<semaphore_mem>>) src(%dma_wait3A_457 : memref<64xf32, #tpu.memory_space<hbm>>) dst(%dma_wait3A_454 : memref<64xf32, #tpu.memory_space<vmem>>)
      %dma_wait3A_458 = arith.constant 0 : i32
      %dma_wait3A_459 = arith.constant 0 : i32
      %dma_wait3A_460 = arith.constant 0 : i32
      %dma_wait3A_461 = tpu.memref_slice %arg8[%dma_wait3A_459, %dma_wait3A_460] : memref<512x64xf32, #tpu.memory_space<vmem>> -> memref<1x64xf32, #tpu.memory_space<vmem>>
      %dma_wait3A_462 = tpu.memref_squeeze %dma_wait3A_461 : memref<1x64xf32, #tpu.memory_space<vmem>> -> memref<64xf32, #tpu.memory_space<vmem>>
      %dma_wait3A_463 = arith.constant 0 : i32
      %dma_wait3A_464 = tpu.memref_slice %arg4[%dma_wait3A_458, %dma_wait3A_463] : memref<1000000x64xf32, #tpu.memory_space<hbm>> -> memref<1x64xf32, #tpu.memory_space<hbm>>
      %dma_wait3A_465 = tpu.memref_squeeze %dma_wait3A_464 : memref<1x64xf32, #tpu.memory_space<hbm>> -> memref<64xf32, #tpu.memory_space<hbm>>
      %dma_wait3A_466 = arith.constant 0 : i32
      %dma_wait3A_467 = tpu.memref_slice %arg8[%dma_wait3A_459, %dma_wait3A_466] : memref<512x64xf32, #tpu.memory_space<vmem>> -> memref<1x64xf32, #tpu.memory_space<vmem>>
      %dma_wait3A_468 = tpu.memref_squeeze %dma_wait3A_467 : memref<1x64xf32, #tpu.memory_space<vmem>> -> memref<64xf32, #tpu.memory_space<vmem>>
      %dma_wait3A_469 = arith.constant 0 : i32
      %dma_wait3A_470 = tpu.memref_slice %arg4[%dma_wait3A_458, %dma_wait3A_469] : memref<1000000x64xf32, #tpu.memory_space<hbm>> -> memref<1x64xf32, #tpu.memory_space<hbm>>
      %dma_wait3A_471 = tpu.memref_squeeze %dma_wait3A_470 : memref<1x64xf32, #tpu.memory_space<hbm>> -> memref<64xf32, #tpu.memory_space<hbm>>
      tpu.wait_dma2 semaphore(%arg9 : memref<!tpu.dma_semaphore, #tpu.memory_space<semaphore_mem>>) src(%dma_wait3A_471 : memref<64xf32, #tpu.memory_space<hbm>>) dst(%dma_wait3A_468 : memref<64xf32, #tpu.memory_space<vmem>>)
      %dma_wait3A_472 = arith.constant 0 : i32
      %dma_wait3A_473 = arith.constant 0 : i32
      %dma_wait3A_474 = arith.constant 0 : i32
      %dma_wait3A_475 = tpu.memref_slice %arg8[%dma_wait3A_473, %dma_wait3A_474] : memref<512x64xf32, #tpu.memory_space<vmem>> -> memref<1x64xf32, #tpu.memory_space<vmem>>
      %dma_wait3A_476 = tpu.memref_squeeze %dma_wait3A_475 : memref<1x64xf32, #tpu.memory_space<vmem>> -> memref<64xf32, #tpu.memory_space<vmem>>
      %dma_wait3A_477 = arith.constant 0 : i32
      %dma_wait3A_478 = tpu.memref_slice %arg4[%dma_wait3A_472, %dma_wait3A_477] : memref<1000000x64xf32, #tpu.memory_space<hbm>> -> memref<1x64xf32, #tpu.memory_space<hbm>>
      %dma_wait3A_479 = tpu.memref_squeeze %dma_wait3A_478 : memref<1x64xf32, #tpu.memory_space<hbm>> -> memref<64xf32, #tpu.memory_space<hbm>>
      %dma_wait3A_480 = arith.constant 0 : i32
      %dma_wait3A_481 = tpu.memref_slice %arg8[%dma_wait3A_473, %dma_wait3A_480] : memref<512x64xf32, #tpu.memory_space<vmem>> -> memref<1x64xf32, #tpu.memory_space<vmem>>
      %dma_wait3A_482 = tpu.memref_squeeze %dma_wait3A_481 : memref<1x64xf32, #tpu.memory_space<vmem>> -> memref<64xf32, #tpu.memory_space<vmem>>
      %dma_wait3A_483 = arith.constant 0 : i32
      %dma_wait3A_484 = tpu.memref_slice %arg4[%dma_wait3A_472, %dma_wait3A_483] : memref<1000000x64xf32, #tpu.memory_space<hbm>> -> memref<1x64xf32, #tpu.memory_space<hbm>>
      %dma_wait3A_485 = tpu.memref_squeeze %dma_wait3A_484 : memref<1x64xf32, #tpu.memory_space<hbm>> -> memref<64xf32, #tpu.memory_space<hbm>>
      tpu.wait_dma2 semaphore(%arg9 : memref<!tpu.dma_semaphore, #tpu.memory_space<semaphore_mem>>) src(%dma_wait3A_485 : memref<64xf32, #tpu.memory_space<hbm>>) dst(%dma_wait3A_482 : memref<64xf32, #tpu.memory_space<vmem>>)
      %dma_wait3A_486 = arith.constant 0 : i32
      %dma_wait3A_487 = arith.constant 0 : i32
      %dma_wait3A_488 = arith.constant 0 : i32
      %dma_wait3A_489 = tpu.memref_slice %arg8[%dma_wait3A_487, %dma_wait3A_488] : memref<512x64xf32, #tpu.memory_space<vmem>> -> memref<1x64xf32, #tpu.memory_space<vmem>>
      %dma_wait3A_490 = tpu.memref_squeeze %dma_wait3A_489 : memref<1x64xf32, #tpu.memory_space<vmem>> -> memref<64xf32, #tpu.memory_space<vmem>>
      %dma_wait3A_491 = arith.constant 0 : i32
      %dma_wait3A_492 = tpu.memref_slice %arg4[%dma_wait3A_486, %dma_wait3A_491] : memref<1000000x64xf32, #tpu.memory_space<hbm>> -> memref<1x64xf32, #tpu.memory_space<hbm>>
      %dma_wait3A_493 = tpu.memref_squeeze %dma_wait3A_492 : memref<1x64xf32, #tpu.memory_space<hbm>> -> memref<64xf32, #tpu.memory_space<hbm>>
      %dma_wait3A_494 = arith.constant 0 : i32
      %dma_wait3A_495 = tpu.memref_slice %arg8[%dma_wait3A_487, %dma_wait3A_494] : memref<512x64xf32, #tpu.memory_space<vmem>> -> memref<1x64xf32, #tpu.memory_space<vmem>>
      %dma_wait3A_496 = tpu.memref_squeeze %dma_wait3A_495 : memref<1x64xf32, #tpu.memory_space<vmem>> -> memref<64xf32, #tpu.memory_space<vmem>>
      %dma_wait3A_497 = arith.constant 0 : i32
      %dma_wait3A_498 = tpu.memref_slice %arg4[%dma_wait3A_486, %dma_wait3A_497] : memref<1000000x64xf32, #tpu.memory_space<hbm>> -> memref<1x64xf32, #tpu.memory_space<hbm>>
      %dma_wait3A_499 = tpu.memref_squeeze %dma_wait3A_498 : memref<1x64xf32, #tpu.memory_space<hbm>> -> memref<64xf32, #tpu.memory_space<hbm>>
      tpu.wait_dma2 semaphore(%arg9 : memref<!tpu.dma_semaphore, #tpu.memory_space<semaphore_mem>>) src(%dma_wait3A_499 : memref<64xf32, #tpu.memory_space<hbm>>) dst(%dma_wait3A_496 : memref<64xf32, #tpu.memory_space<vmem>>)
      %dma_wait3A_500 = arith.constant 0 : i32
      %dma_wait3A_501 = arith.constant 0 : i32
      %dma_wait3A_502 = arith.constant 0 : i32
      %dma_wait3A_503 = tpu.memref_slice %arg8[%dma_wait3A_501, %dma_wait3A_502] : memref<512x64xf32, #tpu.memory_space<vmem>> -> memref<1x64xf32, #tpu.memory_space<vmem>>
      %dma_wait3A_504 = tpu.memref_squeeze %dma_wait3A_503 : memref<1x64xf32, #tpu.memory_space<vmem>> -> memref<64xf32, #tpu.memory_space<vmem>>
      %dma_wait3A_505 = arith.constant 0 : i32
      %dma_wait3A_506 = tpu.memref_slice %arg4[%dma_wait3A_500, %dma_wait3A_505] : memref<1000000x64xf32, #tpu.memory_space<hbm>> -> memref<1x64xf32, #tpu.memory_space<hbm>>
      %dma_wait3A_507 = tpu.memref_squeeze %dma_wait3A_506 : memref<1x64xf32, #tpu.memory_space<hbm>> -> memref<64xf32, #tpu.memory_space<hbm>>
      %dma_wait3A_508 = arith.constant 0 : i32
      %dma_wait3A_509 = tpu.memref_slice %arg8[%dma_wait3A_501, %dma_wait3A_508] : memref<512x64xf32, #tpu.memory_space<vmem>> -> memref<1x64xf32, #tpu.memory_space<vmem>>
      %dma_wait3A_510 = tpu.memref_squeeze %dma_wait3A_509 : memref<1x64xf32, #tpu.memory_space<vmem>> -> memref<64xf32, #tpu.memory_space<vmem>>
      %dma_wait3A_511 = arith.constant 0 : i32
      %dma_wait3A_512 = tpu.memref_slice %arg4[%dma_wait3A_500, %dma_wait3A_511] : memref<1000000x64xf32, #tpu.memory_space<hbm>> -> memref<1x64xf32, #tpu.memory_space<hbm>>
      %dma_wait3A_513 = tpu.memref_squeeze %dma_wait3A_512 : memref<1x64xf32, #tpu.memory_space<hbm>> -> memref<64xf32, #tpu.memory_space<hbm>>
      tpu.wait_dma2 semaphore(%arg9 : memref<!tpu.dma_semaphore, #tpu.memory_space<semaphore_mem>>) src(%dma_wait3A_513 : memref<64xf32, #tpu.memory_space<hbm>>) dst(%dma_wait3A_510 : memref<64xf32, #tpu.memory_space<vmem>>)
      %dma_wait3A_514 = arith.constant 0 : i32
      %dma_wait3A_515 = arith.constant 0 : i32
      %dma_wait3A_516 = arith.constant 0 : i32
      %dma_wait3A_517 = tpu.memref_slice %arg8[%dma_wait3A_515, %dma_wait3A_516] : memref<512x64xf32, #tpu.memory_space<vmem>> -> memref<1x64xf32, #tpu.memory_space<vmem>>
      %dma_wait3A_518 = tpu.memref_squeeze %dma_wait3A_517 : memref<1x64xf32, #tpu.memory_space<vmem>> -> memref<64xf32, #tpu.memory_space<vmem>>
      %dma_wait3A_519 = arith.constant 0 : i32
      %dma_wait3A_520 = tpu.memref_slice %arg4[%dma_wait3A_514, %dma_wait3A_519] : memref<1000000x64xf32, #tpu.memory_space<hbm>> -> memref<1x64xf32, #tpu.memory_space<hbm>>
      %dma_wait3A_521 = tpu.memref_squeeze %dma_wait3A_520 : memref<1x64xf32, #tpu.memory_space<hbm>> -> memref<64xf32, #tpu.memory_space<hbm>>
      %dma_wait3A_522 = arith.constant 0 : i32
      %dma_wait3A_523 = tpu.memref_slice %arg8[%dma_wait3A_515, %dma_wait3A_522] : memref<512x64xf32, #tpu.memory_space<vmem>> -> memref<1x64xf32, #tpu.memory_space<vmem>>
      %dma_wait3A_524 = tpu.memref_squeeze %dma_wait3A_523 : memref<1x64xf32, #tpu.memory_space<vmem>> -> memref<64xf32, #tpu.memory_space<vmem>>
      %dma_wait3A_525 = arith.constant 0 : i32
      %dma_wait3A_526 = tpu.memref_slice %arg4[%dma_wait3A_514, %dma_wait3A_525] : memref<1000000x64xf32, #tpu.memory_space<hbm>> -> memref<1x64xf32, #tpu.memory_space<hbm>>
      %dma_wait3A_527 = tpu.memref_squeeze %dma_wait3A_526 : memref<1x64xf32, #tpu.memory_space<hbm>> -> memref<64xf32, #tpu.memory_space<hbm>>
      tpu.wait_dma2 semaphore(%arg9 : memref<!tpu.dma_semaphore, #tpu.memory_space<semaphore_mem>>) src(%dma_wait3A_527 : memref<64xf32, #tpu.memory_space<hbm>>) dst(%dma_wait3A_524 : memref<64xf32, #tpu.memory_space<vmem>>)
      %dma_wait3A_528 = arith.constant 0 : i32
      %dma_wait3A_529 = arith.constant 0 : i32
      %dma_wait3A_530 = arith.constant 0 : i32
      %dma_wait3A_531 = tpu.memref_slice %arg8[%dma_wait3A_529, %dma_wait3A_530] : memref<512x64xf32, #tpu.memory_space<vmem>> -> memref<1x64xf32, #tpu.memory_space<vmem>>
      %dma_wait3A_532 = tpu.memref_squeeze %dma_wait3A_531 : memref<1x64xf32, #tpu.memory_space<vmem>> -> memref<64xf32, #tpu.memory_space<vmem>>
      %dma_wait3A_533 = arith.constant 0 : i32
      %dma_wait3A_534 = tpu.memref_slice %arg4[%dma_wait3A_528, %dma_wait3A_533] : memref<1000000x64xf32, #tpu.memory_space<hbm>> -> memref<1x64xf32, #tpu.memory_space<hbm>>
      %dma_wait3A_535 = tpu.memref_squeeze %dma_wait3A_534 : memref<1x64xf32, #tpu.memory_space<hbm>> -> memref<64xf32, #tpu.memory_space<hbm>>
      %dma_wait3A_536 = arith.constant 0 : i32
      %dma_wait3A_537 = tpu.memref_slice %arg8[%dma_wait3A_529, %dma_wait3A_536] : memref<512x64xf32, #tpu.memory_space<vmem>> -> memref<1x64xf32, #tpu.memory_space<vmem>>
      %dma_wait3A_538 = tpu.memref_squeeze %dma_wait3A_537 : memref<1x64xf32, #tpu.memory_space<vmem>> -> memref<64xf32, #tpu.memory_space<vmem>>
      %dma_wait3A_539 = arith.constant 0 : i32
      %dma_wait3A_540 = tpu.memref_slice %arg4[%dma_wait3A_528, %dma_wait3A_539] : memref<1000000x64xf32, #tpu.memory_space<hbm>> -> memref<1x64xf32, #tpu.memory_space<hbm>>
      %dma_wait3A_541 = tpu.memref_squeeze %dma_wait3A_540 : memref<1x64xf32, #tpu.memory_space<hbm>> -> memref<64xf32, #tpu.memory_space<hbm>>
      tpu.wait_dma2 semaphore(%arg9 : memref<!tpu.dma_semaphore, #tpu.memory_space<semaphore_mem>>) src(%dma_wait3A_541 : memref<64xf32, #tpu.memory_space<hbm>>) dst(%dma_wait3A_538 : memref<64xf32, #tpu.memory_space<vmem>>)
    }
    %scan3A_13 = arith.constant 24 : i32
    %scan3A_14 = arith.constant 0 : i32
    %scan3A_15 = arith.constant 0 : i32
    %scan3A_16 = arith.constant 8 : i32
    %scan3A_17 = arith.addi %scan3A_15, %scan3A_16 : i32
    %scan3A_18 = arith.constant 1 : i32
    scf.for %scan3A_20 = %scan3A_15 to %scan3A_17 step %scan3A_18  : i32 {
      %dma_wait3A = arith.constant 0 : i32
      %dma_wait3A_21 = arith.constant 0 : i32
      %dma_wait3A_22 = arith.constant 0 : i32
      %dma_wait3A_23 = tpu.memref_slice %arg8[%dma_wait3A_21, %dma_wait3A_22] : memref<512x64xf32, #tpu.memory_space<vmem>> -> memref<1x64xf32, #tpu.memory_space<vmem>>
      %dma_wait3A_24 = tpu.memref_squeeze %dma_wait3A_23 : memref<1x64xf32, #tpu.memory_space<vmem>> -> memref<64xf32, #tpu.memory_space<vmem>>
      %dma_wait3A_25 = arith.constant 0 : i32
      %dma_wait3A_26 = tpu.memref_slice %arg4[%dma_wait3A, %dma_wait3A_25] : memref<1000000x64xf32, #tpu.memory_space<hbm>> -> memref<1x64xf32, #tpu.memory_space<hbm>>
      %dma_wait3A_27 = tpu.memref_squeeze %dma_wait3A_26 : memref<1x64xf32, #tpu.memory_space<hbm>> -> memref<64xf32, #tpu.memory_space<hbm>>
      %dma_wait3A_28 = arith.constant 0 : i32
      %dma_wait3A_29 = tpu.memref_slice %arg8[%dma_wait3A_21, %dma_wait3A_28] : memref<512x64xf32, #tpu.memory_space<vmem>> -> memref<1x64xf32, #tpu.memory_space<vmem>>
      %dma_wait3A_30 = tpu.memref_squeeze %dma_wait3A_29 : memref<1x64xf32, #tpu.memory_space<vmem>> -> memref<64xf32, #tpu.memory_space<vmem>>
      %dma_wait3A_31 = arith.constant 0 : i32
      %dma_wait3A_32 = tpu.memref_slice %arg4[%dma_wait3A, %dma_wait3A_31] : memref<1000000x64xf32, #tpu.memory_space<hbm>> -> memref<1x64xf32, #tpu.memory_space<hbm>>
      %dma_wait3A_33 = tpu.memref_squeeze %dma_wait3A_32 : memref<1x64xf32, #tpu.memory_space<hbm>> -> memref<64xf32, #tpu.memory_space<hbm>>
      tpu.wait_dma2 semaphore(%arg9 : memref<!tpu.dma_semaphore, #tpu.memory_space<semaphore_mem>>) src(%dma_wait3A_33 : memref<64xf32, #tpu.memory_space<hbm>>) dst(%dma_wait3A_30 : memref<64xf32, #tpu.memory_space<vmem>>)
      %dma_wait3A_34 = arith.constant 0 : i32
      %dma_wait3A_35 = arith.constant 0 : i32
      %dma_wait3A_36 = arith.constant 0 : i32
      %dma_wait3A_37 = tpu.memref_slice %arg8[%dma_wait3A_35, %dma_wait3A_36] : memref<512x64xf32, #tpu.memory_space<vmem>> -> memref<1x64xf32, #tpu.memory_space<vmem>>
      %dma_wait3A_38 = tpu.memref_squeeze %dma_wait3A_37 : memref<1x64xf32, #tpu.memory_space<vmem>> -> memref<64xf32, #tpu.memory_space<vmem>>
      %dma_wait3A_39 = arith.constant 0 : i32
      %dma_wait3A_40 = tpu.memref_slice %arg4[%dma_wait3A_34, %dma_wait3A_39] : memref<1000000x64xf32, #tpu.memory_space<hbm>> -> memref<1x64xf32, #tpu.memory_space<hbm>>
      %dma_wait3A_41 = tpu.memref_squeeze %dma_wait3A_40 : memref<1x64xf32, #tpu.memory_space<hbm>> -> memref<64xf32, #tpu.memory_space<hbm>>
      %dma_wait3A_42 = arith.constant 0 : i32
      %dma_wait3A_43 = tpu.memref_slice %arg8[%dma_wait3A_35, %dma_wait3A_42] : memref<512x64xf32, #tpu.memory_space<vmem>> -> memref<1x64xf32, #tpu.memory_space<vmem>>
      %dma_wait3A_44 = tpu.memref_squeeze %dma_wait3A_43 : memref<1x64xf32, #tpu.memory_space<vmem>> -> memref<64xf32, #tpu.memory_space<vmem>>
      %dma_wait3A_45 = arith.constant 0 : i32
      %dma_wait3A_46 = tpu.memref_slice %arg4[%dma_wait3A_34, %dma_wait3A_45] : memref<1000000x64xf32, #tpu.memory_space<hbm>> -> memref<1x64xf32, #tpu.memory_space<hbm>>
      %dma_wait3A_47 = tpu.memref_squeeze %dma_wait3A_46 : memref<1x64xf32, #tpu.memory_space<hbm>> -> memref<64xf32, #tpu.memory_space<hbm>>
      tpu.wait_dma2 semaphore(%arg9 : memref<!tpu.dma_semaphore, #tpu.memory_space<semaphore_mem>>) src(%dma_wait3A_47 : memref<64xf32, #tpu.memory_space<hbm>>) dst(%dma_wait3A_44 : memref<64xf32, #tpu.memory_space<vmem>>)
      %dma_wait3A_48 = arith.constant 0 : i32
      %dma_wait3A_49 = arith.constant 0 : i32
      %dma_wait3A_50 = arith.constant 0 : i32
      %dma_wait3A_51 = tpu.memref_slice %arg8[%dma_wait3A_49, %dma_wait3A_50] : memref<512x64xf32, #tpu.memory_space<vmem>> -> memref<1x64xf32, #tpu.memory_space<vmem>>
      %dma_wait3A_52 = tpu.memref_squeeze %dma_wait3A_51 : memref<1x64xf32, #tpu.memory_space<vmem>> -> memref<64xf32, #tpu.memory_space<vmem>>
      %dma_wait3A_53 = arith.constant 0 : i32
      %dma_wait3A_54 = tpu.memref_slice %arg4[%dma_wait3A_48, %dma_wait3A_53] : memref<1000000x64xf32, #tpu.memory_space<hbm>> -> memref<1x64xf32, #tpu.memory_space<hbm>>
      %dma_wait3A_55 = tpu.memref_squeeze %dma_wait3A_54 : memref<1x64xf32, #tpu.memory_space<hbm>> -> memref<64xf32, #tpu.memory_space<hbm>>
      %dma_wait3A_56 = arith.constant 0 : i32
      %dma_wait3A_57 = tpu.memref_slice %arg8[%dma_wait3A_49, %dma_wait3A_56] : memref<512x64xf32, #tpu.memory_space<vmem>> -> memref<1x64xf32, #tpu.memory_space<vmem>>
      %dma_wait3A_58 = tpu.memref_squeeze %dma_wait3A_57 : memref<1x64xf32, #tpu.memory_space<vmem>> -> memref<64xf32, #tpu.memory_space<vmem>>
      %dma_wait3A_59 = arith.constant 0 : i32
      %dma_wait3A_60 = tpu.memref_slice %arg4[%dma_wait3A_48, %dma_wait3A_59] : memref<1000000x64xf32, #tpu.memory_space<hbm>> -> memref<1x64xf32, #tpu.memory_space<hbm>>
      %dma_wait3A_61 = tpu.memref_squeeze %dma_wait3A_60 : memref<1x64xf32, #tpu.memory_space<hbm>> -> memref<64xf32, #tpu.memory_space<hbm>>
      tpu.wait_dma2 semaphore(%arg9 : memref<!tpu.dma_semaphore, #tpu.memory_space<semaphore_mem>>) src(%dma_wait3A_61 : memref<64xf32, #tpu.memory_space<hbm>>) dst(%dma_wait3A_58 : memref<64xf32, #tpu.memory_space<vmem>>)
      %dma_wait3A_62 = arith.constant 0 : i32
      %dma_wait3A_63 = arith.constant 0 : i32
      %dma_wait3A_64 = arith.constant 0 : i32
      %dma_wait3A_65 = tpu.memref_slice %arg8[%dma_wait3A_63, %dma_wait3A_64] : memref<512x64xf32, #tpu.memory_space<vmem>> -> memref<1x64xf32, #tpu.memory_space<vmem>>
      %dma_wait3A_66 = tpu.memref_squeeze %dma_wait3A_65 : memref<1x64xf32, #tpu.memory_space<vmem>> -> memref<64xf32, #tpu.memory_space<vmem>>
      %dma_wait3A_67 = arith.constant 0 : i32
      %dma_wait3A_68 = tpu.memref_slice %arg4[%dma_wait3A_62, %dma_wait3A_67] : memref<1000000x64xf32, #tpu.memory_space<hbm>> -> memref<1x64xf32, #tpu.memory_space<hbm>>
      %dma_wait3A_69 = tpu.memref_squeeze %dma_wait3A_68 : memref<1x64xf32, #tpu.memory_space<hbm>> -> memref<64xf32, #tpu.memory_space<hbm>>
      %dma_wait3A_70 = arith.constant 0 : i32
      %dma_wait3A_71 = tpu.memref_slice %arg8[%dma_wait3A_63, %dma_wait3A_70] : memref<512x64xf32, #tpu.memory_space<vmem>> -> memref<1x64xf32, #tpu.memory_space<vmem>>
      %dma_wait3A_72 = tpu.memref_squeeze %dma_wait3A_71 : memref<1x64xf32, #tpu.memory_space<vmem>> -> memref<64xf32, #tpu.memory_space<vmem>>
      %dma_wait3A_73 = arith.constant 0 : i32
      %dma_wait3A_74 = tpu.memref_slice %arg4[%dma_wait3A_62, %dma_wait3A_73] : memref<1000000x64xf32, #tpu.memory_space<hbm>> -> memref<1x64xf32, #tpu.memory_space<hbm>>
      %dma_wait3A_75 = tpu.memref_squeeze %dma_wait3A_74 : memref<1x64xf32, #tpu.memory_space<hbm>> -> memref<64xf32, #tpu.memory_space<hbm>>
      tpu.wait_dma2 semaphore(%arg9 : memref<!tpu.dma_semaphore, #tpu.memory_space<semaphore_mem>>) src(%dma_wait3A_75 : memref<64xf32, #tpu.memory_space<hbm>>) dst(%dma_wait3A_72 : memref<64xf32, #tpu.memory_space<vmem>>)
      %dma_wait3A_76 = arith.constant 0 : i32
      %dma_wait3A_77 = arith.constant 0 : i32
      %dma_wait3A_78 = arith.constant 0 : i32
      %dma_wait3A_79 = tpu.memref_slice %arg8[%dma_wait3A_77, %dma_wait3A_78] : memref<512x64xf32, #tpu.memory_space<vmem>> -> memref<1x64xf32, #tpu.memory_space<vmem>>
      %dma_wait3A_80 = tpu.memref_squeeze %dma_wait3A_79 : memref<1x64xf32, #tpu.memory_space<vmem>> -> memref<64xf32, #tpu.memory_space<vmem>>
      %dma_wait3A_81 = arith.constant 0 : i32
      %dma_wait3A_82 = tpu.memref_slice %arg4[%dma_wait3A_76, %dma_wait3A_81] : memref<1000000x64xf32, #tpu.memory_space<hbm>> -> memref<1x64xf32, #tpu.memory_space<hbm>>
      %dma_wait3A_83 = tpu.memref_squeeze %dma_wait3A_82 : memref<1x64xf32, #tpu.memory_space<hbm>> -> memref<64xf32, #tpu.memory_space<hbm>>
      %dma_wait3A_84 = arith.constant 0 : i32
      %dma_wait3A_85 = tpu.memref_slice %arg8[%dma_wait3A_77, %dma_wait3A_84] : memref<512x64xf32, #tpu.memory_space<vmem>> -> memref<1x64xf32, #tpu.memory_space<vmem>>
      %dma_wait3A_86 = tpu.memref_squeeze %dma_wait3A_85 : memref<1x64xf32, #tpu.memory_space<vmem>> -> memref<64xf32, #tpu.memory_space<vmem>>
      %dma_wait3A_87 = arith.constant 0 : i32
      %dma_wait3A_88 = tpu.memref_slice %arg4[%dma_wait3A_76, %dma_wait3A_87] : memref<1000000x64xf32, #tpu.memory_space<hbm>> -> memref<1x64xf32, #tpu.memory_space<hbm>>
      %dma_wait3A_89 = tpu.memref_squeeze %dma_wait3A_88 : memref<1x64xf32, #tpu.memory_space<hbm>> -> memref<64xf32, #tpu.memory_space<hbm>>
      tpu.wait_dma2 semaphore(%arg9 : memref<!tpu.dma_semaphore, #tpu.memory_space<semaphore_mem>>) src(%dma_wait3A_89 : memref<64xf32, #tpu.memory_space<hbm>>) dst(%dma_wait3A_86 : memref<64xf32, #tpu.memory_space<vmem>>)
      %dma_wait3A_90 = arith.constant 0 : i32
      %dma_wait3A_91 = arith.constant 0 : i32
      %dma_wait3A_92 = arith.constant 0 : i32
      %dma_wait3A_93 = tpu.memref_slice %arg8[%dma_wait3A_91, %dma_wait3A_92] : memref<512x64xf32, #tpu.memory_space<vmem>> -> memref<1x64xf32, #tpu.memory_space<vmem>>
      %dma_wait3A_94 = tpu.memref_squeeze %dma_wait3A_93 : memref<1x64xf32, #tpu.memory_space<vmem>> -> memref<64xf32, #tpu.memory_space<vmem>>
      %dma_wait3A_95 = arith.constant 0 : i32
      %dma_wait3A_96 = tpu.memref_slice %arg4[%dma_wait3A_90, %dma_wait3A_95] : memref<1000000x64xf32, #tpu.memory_space<hbm>> -> memref<1x64xf32, #tpu.memory_space<hbm>>
      %dma_wait3A_97 = tpu.memref_squeeze %dma_wait3A_96 : memref<1x64xf32, #tpu.memory_space<hbm>> -> memref<64xf32, #tpu.memory_space<hbm>>
      %dma_wait3A_98 = arith.constant 0 : i32
      %dma_wait3A_99 = tpu.memref_slice %arg8[%dma_wait3A_91, %dma_wait3A_98] : memref<512x64xf32, #tpu.memory_space<vmem>> -> memref<1x64xf32, #tpu.memory_space<vmem>>
      %dma_wait3A_100 = tpu.memref_squeeze %dma_wait3A_99 : memref<1x64xf32, #tpu.memory_space<vmem>> -> memref<64xf32, #tpu.memory_space<vmem>>
      %dma_wait3A_101 = arith.constant 0 : i32
      %dma_wait3A_102 = tpu.memref_slice %arg4[%dma_wait3A_90, %dma_wait3A_101] : memref<1000000x64xf32, #tpu.memory_space<hbm>> -> memref<1x64xf32, #tpu.memory_space<hbm>>
      %dma_wait3A_103 = tpu.memref_squeeze %dma_wait3A_102 : memref<1x64xf32, #tpu.memory_space<hbm>> -> memref<64xf32, #tpu.memory_space<hbm>>
      tpu.wait_dma2 semaphore(%arg9 : memref<!tpu.dma_semaphore, #tpu.memory_space<semaphore_mem>>) src(%dma_wait3A_103 : memref<64xf32, #tpu.memory_space<hbm>>) dst(%dma_wait3A_100 : memref<64xf32, #tpu.memory_space<vmem>>)
      %dma_wait3A_104 = arith.constant 0 : i32
      %dma_wait3A_105 = arith.constant 0 : i32
      %dma_wait3A_106 = arith.constant 0 : i32
      %dma_wait3A_107 = tpu.memref_slice %arg8[%dma_wait3A_105, %dma_wait3A_106] : memref<512x64xf32, #tpu.memory_space<vmem>> -> memref<1x64xf32, #tpu.memory_space<vmem>>
      %dma_wait3A_108 = tpu.memref_squeeze %dma_wait3A_107 : memref<1x64xf32, #tpu.memory_space<vmem>> -> memref<64xf32, #tpu.memory_space<vmem>>
      %dma_wait3A_109 = arith.constant 0 : i32
      %dma_wait3A_110 = tpu.memref_slice %arg4[%dma_wait3A_104, %dma_wait3A_109] : memref<1000000x64xf32, #tpu.memory_space<hbm>> -> memref<1x64xf32, #tpu.memory_space<hbm>>
      %dma_wait3A_111 = tpu.memref_squeeze %dma_wait3A_110 : memref<1x64xf32, #tpu.memory_space<hbm>> -> memref<64xf32, #tpu.memory_space<hbm>>
      %dma_wait3A_112 = arith.constant 0 : i32
      %dma_wait3A_113 = tpu.memref_slice %arg8[%dma_wait3A_105, %dma_wait3A_112] : memref<512x64xf32, #tpu.memory_space<vmem>> -> memref<1x64xf32, #tpu.memory_space<vmem>>
      %dma_wait3A_114 = tpu.memref_squeeze %dma_wait3A_113 : memref<1x64xf32, #tpu.memory_space<vmem>> -> memref<64xf32, #tpu.memory_space<vmem>>
      %dma_wait3A_115 = arith.constant 0 : i32
      %dma_wait3A_116 = tpu.memref_slice %arg4[%dma_wait3A_104, %dma_wait3A_115] : memref<1000000x64xf32, #tpu.memory_space<hbm>> -> memref<1x64xf32, #tpu.memory_space<hbm>>
      %dma_wait3A_117 = tpu.memref_squeeze %dma_wait3A_116 : memref<1x64xf32, #tpu.memory_space<hbm>> -> memref<64xf32, #tpu.memory_space<hbm>>
      tpu.wait_dma2 semaphore(%arg9 : memref<!tpu.dma_semaphore, #tpu.memory_space<semaphore_mem>>) src(%dma_wait3A_117 : memref<64xf32, #tpu.memory_space<hbm>>) dst(%dma_wait3A_114 : memref<64xf32, #tpu.memory_space<vmem>>)
      %dma_wait3A_118 = arith.constant 0 : i32
      %dma_wait3A_119 = arith.constant 0 : i32
      %dma_wait3A_120 = arith.constant 0 : i32
      %dma_wait3A_121 = tpu.memref_slice %arg8[%dma_wait3A_119, %dma_wait3A_120] : memref<512x64xf32, #tpu.memory_space<vmem>> -> memref<1x64xf32, #tpu.memory_space<vmem>>
      %dma_wait3A_122 = tpu.memref_squeeze %dma_wait3A_121 : memref<1x64xf32, #tpu.memory_space<vmem>> -> memref<64xf32, #tpu.memory_space<vmem>>
      %dma_wait3A_123 = arith.constant 0 : i32
      %dma_wait3A_124 = tpu.memref_slice %arg4[%dma_wait3A_118, %dma_wait3A_123] : memref<1000000x64xf32, #tpu.memory_space<hbm>> -> memref<1x64xf32, #tpu.memory_space<hbm>>
      %dma_wait3A_125 = tpu.memref_squeeze %dma_wait3A_124 : memref<1x64xf32, #tpu.memory_space<hbm>> -> memref<64xf32, #tpu.memory_space<hbm>>
      %dma_wait3A_126 = arith.constant 0 : i32
      %dma_wait3A_127 = tpu.memref_slice %arg8[%dma_wait3A_119, %dma_wait3A_126] : memref<512x64xf32, #tpu.memory_space<vmem>> -> memref<1x64xf32, #tpu.memory_space<vmem>>
      %dma_wait3A_128 = tpu.memref_squeeze %dma_wait3A_127 : memref<1x64xf32, #tpu.memory_space<vmem>> -> memref<64xf32, #tpu.memory_space<vmem>>
      %dma_wait3A_129 = arith.constant 0 : i32
      %dma_wait3A_130 = tpu.memref_slice %arg4[%dma_wait3A_118, %dma_wait3A_129] : memref<1000000x64xf32, #tpu.memory_space<hbm>> -> memref<1x64xf32, #tpu.memory_space<hbm>>
      %dma_wait3A_131 = tpu.memref_squeeze %dma_wait3A_130 : memref<1x64xf32, #tpu.memory_space<hbm>> -> memref<64xf32, #tpu.memory_space<hbm>>
      tpu.wait_dma2 semaphore(%arg9 : memref<!tpu.dma_semaphore, #tpu.memory_space<semaphore_mem>>) src(%dma_wait3A_131 : memref<64xf32, #tpu.memory_space<hbm>>) dst(%dma_wait3A_128 : memref<64xf32, #tpu.memory_space<vmem>>)
      %dma_wait3A_132 = arith.constant 0 : i32
      %dma_wait3A_133 = arith.constant 0 : i32
      %dma_wait3A_134 = arith.constant 0 : i32
      %dma_wait3A_135 = tpu.memref_slice %arg8[%dma_wait3A_133, %dma_wait3A_134] : memref<512x64xf32, #tpu.memory_space<vmem>> -> memref<1x64xf32, #tpu.memory_space<vmem>>
      %dma_wait3A_136 = tpu.memref_squeeze %dma_wait3A_135 : memref<1x64xf32, #tpu.memory_space<vmem>> -> memref<64xf32, #tpu.memory_space<vmem>>
      %dma_wait3A_137 = arith.constant 0 : i32
      %dma_wait3A_138 = tpu.memref_slice %arg4[%dma_wait3A_132, %dma_wait3A_137] : memref<1000000x64xf32, #tpu.memory_space<hbm>> -> memref<1x64xf32, #tpu.memory_space<hbm>>
      %dma_wait3A_139 = tpu.memref_squeeze %dma_wait3A_138 : memref<1x64xf32, #tpu.memory_space<hbm>> -> memref<64xf32, #tpu.memory_space<hbm>>
      %dma_wait3A_140 = arith.constant 0 : i32
      %dma_wait3A_141 = tpu.memref_slice %arg8[%dma_wait3A_133, %dma_wait3A_140] : memref<512x64xf32, #tpu.memory_space<vmem>> -> memref<1x64xf32, #tpu.memory_space<vmem>>
      %dma_wait3A_142 = tpu.memref_squeeze %dma_wait3A_141 : memref<1x64xf32, #tpu.memory_space<vmem>> -> memref<64xf32, #tpu.memory_space<vmem>>
      %dma_wait3A_143 = arith.constant 0 : i32
      %dma_wait3A_144 = tpu.memref_slice %arg4[%dma_wait3A_132, %dma_wait3A_143] : memref<1000000x64xf32, #tpu.memory_space<hbm>> -> memref<1x64xf32, #tpu.memory_space<hbm>>
      %dma_wait3A_145 = tpu.memref_squeeze %dma_wait3A_144 : memref<1x64xf32, #tpu.memory_space<hbm>> -> memref<64xf32, #tpu.memory_space<hbm>>
      tpu.wait_dma2 semaphore(%arg9 : memref<!tpu.dma_semaphore, #tpu.memory_space<semaphore_mem>>) src(%dma_wait3A_145 : memref<64xf32, #tpu.memory_space<hbm>>) dst(%dma_wait3A_142 : memref<64xf32, #tpu.memory_space<vmem>>)
      %dma_wait3A_146 = arith.constant 0 : i32
      %dma_wait3A_147 = arith.constant 0 : i32
      %dma_wait3A_148 = arith.constant 0 : i32
      %dma_wait3A_149 = tpu.memref_slice %arg8[%dma_wait3A_147, %dma_wait3A_148] : memref<512x64xf32, #tpu.memory_space<vmem>> -> memref<1x64xf32, #tpu.memory_space<vmem>>
      %dma_wait3A_150 = tpu.memref_squeeze %dma_wait3A_149 : memref<1x64xf32, #tpu.memory_space<vmem>> -> memref<64xf32, #tpu.memory_space<vmem>>
      %dma_wait3A_151 = arith.constant 0 : i32
      %dma_wait3A_152 = tpu.memref_slice %arg4[%dma_wait3A_146, %dma_wait3A_151] : memref<1000000x64xf32, #tpu.memory_space<hbm>> -> memref<1x64xf32, #tpu.memory_space<hbm>>
      %dma_wait3A_153 = tpu.memref_squeeze %dma_wait3A_152 : memref<1x64xf32, #tpu.memory_space<hbm>> -> memref<64xf32, #tpu.memory_space<hbm>>
      %dma_wait3A_154 = arith.constant 0 : i32
      %dma_wait3A_155 = tpu.memref_slice %arg8[%dma_wait3A_147, %dma_wait3A_154] : memref<512x64xf32, #tpu.memory_space<vmem>> -> memref<1x64xf32, #tpu.memory_space<vmem>>
      %dma_wait3A_156 = tpu.memref_squeeze %dma_wait3A_155 : memref<1x64xf32, #tpu.memory_space<vmem>> -> memref<64xf32, #tpu.memory_space<vmem>>
      %dma_wait3A_157 = arith.constant 0 : i32
      %dma_wait3A_158 = tpu.memref_slice %arg4[%dma_wait3A_146, %dma_wait3A_157] : memref<1000000x64xf32, #tpu.memory_space<hbm>> -> memref<1x64xf32, #tpu.memory_space<hbm>>
      %dma_wait3A_159 = tpu.memref_squeeze %dma_wait3A_158 : memref<1x64xf32, #tpu.memory_space<hbm>> -> memref<64xf32, #tpu.memory_space<hbm>>
      tpu.wait_dma2 semaphore(%arg9 : memref<!tpu.dma_semaphore, #tpu.memory_space<semaphore_mem>>) src(%dma_wait3A_159 : memref<64xf32, #tpu.memory_space<hbm>>) dst(%dma_wait3A_156 : memref<64xf32, #tpu.memory_space<vmem>>)
      %dma_wait3A_160 = arith.constant 0 : i32
      %dma_wait3A_161 = arith.constant 0 : i32
      %dma_wait3A_162 = arith.constant 0 : i32
      %dma_wait3A_163 = tpu.memref_slice %arg8[%dma_wait3A_161, %dma_wait3A_162] : memref<512x64xf32, #tpu.memory_space<vmem>> -> memref<1x64xf32, #tpu.memory_space<vmem>>
      %dma_wait3A_164 = tpu.memref_squeeze %dma_wait3A_163 : memref<1x64xf32, #tpu.memory_space<vmem>> -> memref<64xf32, #tpu.memory_space<vmem>>
      %dma_wait3A_165 = arith.constant 0 : i32
      %dma_wait3A_166 = tpu.memref_slice %arg4[%dma_wait3A_160, %dma_wait3A_165] : memref<1000000x64xf32, #tpu.memory_space<hbm>> -> memref<1x64xf32, #tpu.memory_space<hbm>>
      %dma_wait3A_167 = tpu.memref_squeeze %dma_wait3A_166 : memref<1x64xf32, #tpu.memory_space<hbm>> -> memref<64xf32, #tpu.memory_space<hbm>>
      %dma_wait3A_168 = arith.constant 0 : i32
      %dma_wait3A_169 = tpu.memref_slice %arg8[%dma_wait3A_161, %dma_wait3A_168] : memref<512x64xf32, #tpu.memory_space<vmem>> -> memref<1x64xf32, #tpu.memory_space<vmem>>
      %dma_wait3A_170 = tpu.memref_squeeze %dma_wait3A_169 : memref<1x64xf32, #tpu.memory_space<vmem>> -> memref<64xf32, #tpu.memory_space<vmem>>
      %dma_wait3A_171 = arith.constant 0 : i32
      %dma_wait3A_172 = tpu.memref_slice %arg4[%dma_wait3A_160, %dma_wait3A_171] : memref<1000000x64xf32, #tpu.memory_space<hbm>> -> memref<1x64xf32, #tpu.memory_space<hbm>>
      %dma_wait3A_173 = tpu.memref_squeeze %dma_wait3A_172 : memref<1x64xf32, #tpu.memory_space<hbm>> -> memref<64xf32, #tpu.memory_space<hbm>>
      tpu.wait_dma2 semaphore(%arg9 : memref<!tpu.dma_semaphore, #tpu.memory_space<semaphore_mem>>) src(%dma_wait3A_173 : memref<64xf32, #tpu.memory_space<hbm>>) dst(%dma_wait3A_170 : memref<64xf32, #tpu.memory_space<vmem>>)
      %dma_wait3A_174 = arith.constant 0 : i32
      %dma_wait3A_175 = arith.constant 0 : i32
      %dma_wait3A_176 = arith.constant 0 : i32
      %dma_wait3A_177 = tpu.memref_slice %arg8[%dma_wait3A_175, %dma_wait3A_176] : memref<512x64xf32, #tpu.memory_space<vmem>> -> memref<1x64xf32, #tpu.memory_space<vmem>>
      %dma_wait3A_178 = tpu.memref_squeeze %dma_wait3A_177 : memref<1x64xf32, #tpu.memory_space<vmem>> -> memref<64xf32, #tpu.memory_space<vmem>>
      %dma_wait3A_179 = arith.constant 0 : i32
      %dma_wait3A_180 = tpu.memref_slice %arg4[%dma_wait3A_174, %dma_wait3A_179] : memref<1000000x64xf32, #tpu.memory_space<hbm>> -> memref<1x64xf32, #tpu.memory_space<hbm>>
      %dma_wait3A_181 = tpu.memref_squeeze %dma_wait3A_180 : memref<1x64xf32, #tpu.memory_space<hbm>> -> memref<64xf32, #tpu.memory_space<hbm>>
      %dma_wait3A_182 = arith.constant 0 : i32
      %dma_wait3A_183 = tpu.memref_slice %arg8[%dma_wait3A_175, %dma_wait3A_182] : memref<512x64xf32, #tpu.memory_space<vmem>> -> memref<1x64xf32, #tpu.memory_space<vmem>>
      %dma_wait3A_184 = tpu.memref_squeeze %dma_wait3A_183 : memref<1x64xf32, #tpu.memory_space<vmem>> -> memref<64xf32, #tpu.memory_space<vmem>>
      %dma_wait3A_185 = arith.constant 0 : i32
      %dma_wait3A_186 = tpu.memref_slice %arg4[%dma_wait3A_174, %dma_wait3A_185] : memref<1000000x64xf32, #tpu.memory_space<hbm>> -> memref<1x64xf32, #tpu.memory_space<hbm>>
      %dma_wait3A_187 = tpu.memref_squeeze %dma_wait3A_186 : memref<1x64xf32, #tpu.memory_space<hbm>> -> memref<64xf32, #tpu.memory_space<hbm>>
      tpu.wait_dma2 semaphore(%arg9 : memref<!tpu.dma_semaphore, #tpu.memory_space<semaphore_mem>>) src(%dma_wait3A_187 : memref<64xf32, #tpu.memory_space<hbm>>) dst(%dma_wait3A_184 : memref<64xf32, #tpu.memory_space<vmem>>)
      %dma_wait3A_188 = arith.constant 0 : i32
      %dma_wait3A_189 = arith.constant 0 : i32
      %dma_wait3A_190 = arith.constant 0 : i32
      %dma_wait3A_191 = tpu.memref_slice %arg8[%dma_wait3A_189, %dma_wait3A_190] : memref<512x64xf32, #tpu.memory_space<vmem>> -> memref<1x64xf32, #tpu.memory_space<vmem>>
      %dma_wait3A_192 = tpu.memref_squeeze %dma_wait3A_191 : memref<1x64xf32, #tpu.memory_space<vmem>> -> memref<64xf32, #tpu.memory_space<vmem>>
      %dma_wait3A_193 = arith.constant 0 : i32
      %dma_wait3A_194 = tpu.memref_slice %arg4[%dma_wait3A_188, %dma_wait3A_193] : memref<1000000x64xf32, #tpu.memory_space<hbm>> -> memref<1x64xf32, #tpu.memory_space<hbm>>
      %dma_wait3A_195 = tpu.memref_squeeze %dma_wait3A_194 : memref<1x64xf32, #tpu.memory_space<hbm>> -> memref<64xf32, #tpu.memory_space<hbm>>
      %dma_wait3A_196 = arith.constant 0 : i32
      %dma_wait3A_197 = tpu.memref_slice %arg8[%dma_wait3A_189, %dma_wait3A_196] : memref<512x64xf32, #tpu.memory_space<vmem>> -> memref<1x64xf32, #tpu.memory_space<vmem>>
      %dma_wait3A_198 = tpu.memref_squeeze %dma_wait3A_197 : memref<1x64xf32, #tpu.memory_space<vmem>> -> memref<64xf32, #tpu.memory_space<vmem>>
      %dma_wait3A_199 = arith.constant 0 : i32
      %dma_wait3A_200 = tpu.memref_slice %arg4[%dma_wait3A_188, %dma_wait3A_199] : memref<1000000x64xf32, #tpu.memory_space<hbm>> -> memref<1x64xf32, #tpu.memory_space<hbm>>
      %dma_wait3A_201 = tpu.memref_squeeze %dma_wait3A_200 : memref<1x64xf32, #tpu.memory_space<hbm>> -> memref<64xf32, #tpu.memory_space<hbm>>
      tpu.wait_dma2 semaphore(%arg9 : memref<!tpu.dma_semaphore, #tpu.memory_space<semaphore_mem>>) src(%dma_wait3A_201 : memref<64xf32, #tpu.memory_space<hbm>>) dst(%dma_wait3A_198 : memref<64xf32, #tpu.memory_space<vmem>>)
      %dma_wait3A_202 = arith.constant 0 : i32
      %dma_wait3A_203 = arith.constant 0 : i32
      %dma_wait3A_204 = arith.constant 0 : i32
      %dma_wait3A_205 = tpu.memref_slice %arg8[%dma_wait3A_203, %dma_wait3A_204] : memref<512x64xf32, #tpu.memory_space<vmem>> -> memref<1x64xf32, #tpu.memory_space<vmem>>
      %dma_wait3A_206 = tpu.memref_squeeze %dma_wait3A_205 : memref<1x64xf32, #tpu.memory_space<vmem>> -> memref<64xf32, #tpu.memory_space<vmem>>
      %dma_wait3A_207 = arith.constant 0 : i32
      %dma_wait3A_208 = tpu.memref_slice %arg4[%dma_wait3A_202, %dma_wait3A_207] : memref<1000000x64xf32, #tpu.memory_space<hbm>> -> memref<1x64xf32, #tpu.memory_space<hbm>>
      %dma_wait3A_209 = tpu.memref_squeeze %dma_wait3A_208 : memref<1x64xf32, #tpu.memory_space<hbm>> -> memref<64xf32, #tpu.memory_space<hbm>>
      %dma_wait3A_210 = arith.constant 0 : i32
      %dma_wait3A_211 = tpu.memref_slice %arg8[%dma_wait3A_203, %dma_wait3A_210] : memref<512x64xf32, #tpu.memory_space<vmem>> -> memref<1x64xf32, #tpu.memory_space<vmem>>
      %dma_wait3A_212 = tpu.memref_squeeze %dma_wait3A_211 : memref<1x64xf32, #tpu.memory_space<vmem>> -> memref<64xf32, #tpu.memory_space<vmem>>
      %dma_wait3A_213 = arith.constant 0 : i32
      %dma_wait3A_214 = tpu.memref_slice %arg4[%dma_wait3A_202, %dma_wait3A_213] : memref<1000000x64xf32, #tpu.memory_space<hbm>> -> memref<1x64xf32, #tpu.memory_space<hbm>>
      %dma_wait3A_215 = tpu.memref_squeeze %dma_wait3A_214 : memref<1x64xf32, #tpu.memory_space<hbm>> -> memref<64xf32, #tpu.memory_space<hbm>>
      tpu.wait_dma2 semaphore(%arg9 : memref<!tpu.dma_semaphore, #tpu.memory_space<semaphore_mem>>) src(%dma_wait3A_215 : memref<64xf32, #tpu.memory_space<hbm>>) dst(%dma_wait3A_212 : memref<64xf32, #tpu.memory_space<vmem>>)
      %dma_wait3A_216 = arith.constant 0 : i32
      %dma_wait3A_217 = arith.constant 0 : i32
      %dma_wait3A_218 = arith.constant 0 : i32
      %dma_wait3A_219 = tpu.memref_slice %arg8[%dma_wait3A_217, %dma_wait3A_218] : memref<512x64xf32, #tpu.memory_space<vmem>> -> memref<1x64xf32, #tpu.memory_space<vmem>>
      %dma_wait3A_220 = tpu.memref_squeeze %dma_wait3A_219 : memref<1x64xf32, #tpu.memory_space<vmem>> -> memref<64xf32, #tpu.memory_space<vmem>>
      %dma_wait3A_221 = arith.constant 0 : i32
      %dma_wait3A_222 = tpu.memref_slice %arg4[%dma_wait3A_216, %dma_wait3A_221] : memref<1000000x64xf32, #tpu.memory_space<hbm>> -> memref<1x64xf32, #tpu.memory_space<hbm>>
      %dma_wait3A_223 = tpu.memref_squeeze %dma_wait3A_222 : memref<1x64xf32, #tpu.memory_space<hbm>> -> memref<64xf32, #tpu.memory_space<hbm>>
      %dma_wait3A_224 = arith.constant 0 : i32
      %dma_wait3A_225 = tpu.memref_slice %arg8[%dma_wait3A_217, %dma_wait3A_224] : memref<512x64xf32, #tpu.memory_space<vmem>> -> memref<1x64xf32, #tpu.memory_space<vmem>>
      %dma_wait3A_226 = tpu.memref_squeeze %dma_wait3A_225 : memref<1x64xf32, #tpu.memory_space<vmem>> -> memref<64xf32, #tpu.memory_space<vmem>>
      %dma_wait3A_227 = arith.constant 0 : i32
      %dma_wait3A_228 = tpu.memref_slice %arg4[%dma_wait3A_216, %dma_wait3A_227] : memref<1000000x64xf32, #tpu.memory_space<hbm>> -> memref<1x64xf32, #tpu.memory_space<hbm>>
      %dma_wait3A_229 = tpu.memref_squeeze %dma_wait3A_228 : memref<1x64xf32, #tpu.memory_space<hbm>> -> memref<64xf32, #tpu.memory_space<hbm>>
      tpu.wait_dma2 semaphore(%arg9 : memref<!tpu.dma_semaphore, #tpu.memory_space<semaphore_mem>>) src(%dma_wait3A_229 : memref<64xf32, #tpu.memory_space<hbm>>) dst(%dma_wait3A_226 : memref<64xf32, #tpu.memory_space<vmem>>)
      %dma_wait3A_230 = arith.constant 0 : i32
      %dma_wait3A_231 = arith.constant 0 : i32
      %dma_wait3A_232 = arith.constant 0 : i32
      %dma_wait3A_233 = tpu.memref_slice %arg8[%dma_wait3A_231, %dma_wait3A_232] : memref<512x64xf32, #tpu.memory_space<vmem>> -> memref<1x64xf32, #tpu.memory_space<vmem>>
      %dma_wait3A_234 = tpu.memref_squeeze %dma_wait3A_233 : memref<1x64xf32, #tpu.memory_space<vmem>> -> memref<64xf32, #tpu.memory_space<vmem>>
      %dma_wait3A_235 = arith.constant 0 : i32
      %dma_wait3A_236 = tpu.memref_slice %arg4[%dma_wait3A_230, %dma_wait3A_235] : memref<1000000x64xf32, #tpu.memory_space<hbm>> -> memref<1x64xf32, #tpu.memory_space<hbm>>
      %dma_wait3A_237 = tpu.memref_squeeze %dma_wait3A_236 : memref<1x64xf32, #tpu.memory_space<hbm>> -> memref<64xf32, #tpu.memory_space<hbm>>
      %dma_wait3A_238 = arith.constant 0 : i32
      %dma_wait3A_239 = tpu.memref_slice %arg8[%dma_wait3A_231, %dma_wait3A_238] : memref<512x64xf32, #tpu.memory_space<vmem>> -> memref<1x64xf32, #tpu.memory_space<vmem>>
      %dma_wait3A_240 = tpu.memref_squeeze %dma_wait3A_239 : memref<1x64xf32, #tpu.memory_space<vmem>> -> memref<64xf32, #tpu.memory_space<vmem>>
      %dma_wait3A_241 = arith.constant 0 : i32
      %dma_wait3A_242 = tpu.memref_slice %arg4[%dma_wait3A_230, %dma_wait3A_241] : memref<1000000x64xf32, #tpu.memory_space<hbm>> -> memref<1x64xf32, #tpu.memory_space<hbm>>
      %dma_wait3A_243 = tpu.memref_squeeze %dma_wait3A_242 : memref<1x64xf32, #tpu.memory_space<hbm>> -> memref<64xf32, #tpu.memory_space<hbm>>
      tpu.wait_dma2 semaphore(%arg9 : memref<!tpu.dma_semaphore, #tpu.memory_space<semaphore_mem>>) src(%dma_wait3A_243 : memref<64xf32, #tpu.memory_space<hbm>>) dst(%dma_wait3A_240 : memref<64xf32, #tpu.memory_space<vmem>>)
    }
    %scan3A_19 = arith.constant 8 : i32
    "tpu.region"() ({
      %run_scoped3A = tpu.sem_alloc : memref<!tpu.dma_semaphore, #tpu.memory_space<semaphore_mem>>
      %dma_start3A = arith.constant 0 : i32
      %dma_start3A_20 = tpu.memref_slice %arg5[%mul3A_2, %dma_start3A] : memref<16384x64xf32, #tpu.memory_space<hbm>> -> memref<512x64xf32, #tpu.memory_space<hbm>>
      %dma_start3A_21 = arith.constant 0 : i32
      %dma_start3A_22 = tpu.memref_slice %arg5[%mul3A_2, %dma_start3A_21] : memref<16384x64xf32, #tpu.memory_space<hbm>> -> memref<512x64xf32, #tpu.memory_space<hbm>>
      tpu.enqueue_dma source(%arg8 : memref<512x64xf32, #tpu.memory_space<vmem>>) target(%dma_start3A_22 : memref<512x64xf32, #tpu.memory_space<hbm>>) target_semaphore(%run_scoped3A : memref<!tpu.dma_semaphore, #tpu.memory_space<semaphore_mem>>)
      %dma_wait3A = arith.constant 0 : i32
      %dma_wait3A_23 = tpu.memref_slice %arg5[%mul3A_2, %dma_wait3A] : memref<16384x64xf32, #tpu.memory_space<hbm>> -> memref<512x64xf32, #tpu.memory_space<hbm>>
      %dma_wait3A_24 = arith.constant 0 : i32
      %dma_wait3A_25 = tpu.memref_slice %arg5[%mul3A_2, %dma_wait3A_24] : memref<16384x64xf32, #tpu.memory_space<hbm>> -> memref<512x64xf32, #tpu.memory_space<hbm>>
      tpu.wait_dma2 semaphore(%run_scoped3A : memref<!tpu.dma_semaphore, #tpu.memory_space<semaphore_mem>>) src(%arg8 : memref<512x64xf32, #tpu.memory_space<vmem>>) dst(%dma_wait3A_25 : memref<512x64xf32, #tpu.memory_space<hbm>>)
      tpu.yield
    }) : () -> ()
    return
  }
}

</mosaic_0001>

<sc_bundles>
// kernel: kernel.3.cloned.1.call-start
scs
__scs_entry_jumppad:
0x0: {  	(pc) =	sbr.rel $0x88, $3  }
0x1: {  	(tag) =	ssettag $0x0;
	lr =	simm.s32 $0x1  }
0x2: {  	[smem:$0x3F9E] =	sst lr;
	_ =	strace $0xD0000000  }
0x3: {  	_ = 	snop  }
0x4: {  	_ = 	snop  }
0x5: {  	_ = 	snop  }
0x6: {  	_ = 	snop  }
0x7: {  	_ = 	snop  }
__scs_overlays_trampoline_lowered:
0x8: {  	[smem:$0x3FAD] =	sst s0  }
0x9: {  	[smem:$0x3FAE] =	sst s1  }
0xa: {  	[smem:$0x3FAF] =	sst s2  }
0xb: {  	[smem:$0x3FB0] =	sst s3  }
0xc: {  	[smem:$0x3FB1] =	sst s4  }
0xd: {  	[smem:$0x3FB2] =	sst s5  }
0xe: {  	[smem:$0x3FB3] =	sst s6  }
0xf: {  	[smem:$0x3FB4] =	sst s7  }
0x10: {  	[smem:$0x3FB5] =	sst s8  }
0x11: {  	[smem:$0x3FB6] =	sst s9;
	s0 =	simm.s32 @!p0 $0x0  }
0x12: {  	s1 =	sld [smem:$0x3F9C];
	s0 =	simm.s32 @p0 $0x1  }
0x13: {  	[smem:$0x3FB7] =	sst s0;
	s0 =	simm.s32 @!p1 $0x0  }
0x14: {  	s2 =	sld [smem:$0x3F9B];
	s0 =	simm.s32 @p1 $0x1  }
0x15: {  	[smem:$0x3FB8] =	sst s0;
	s0 =	simm.s32 @!p2 $0x0  }
0x16: {  	s3 =	sld [smem:$0x3FDB];
	s0 =	simm.s32 @p2 $0x1  }
0x17: {  	s4 =	simm.s32 $0x1BF5;
	[smem:$0x3FBA] =	sst s0  }
0x18: {  	s0 =	sld [smem:$0x3F9D];
	_ =	swait.ge [sflag:s4], $0x0  }
0x19: {  	s7 =	sld [smem:$0x3F9E]  }
0x1a: {  	s8 =	sadd.s32 $0xFFFFE003, lr  }
0x1b: {  	s9 =	sadd.s32 $0xFFFFFEF7, lr;
	s5 =	simm.s32 $0xFFFFFFFF;
	p2 =	slt.u32 s8, $0xFFFFF086  }
0x1c: {  	p1 =	slt.u32 s9, $0xF7A;
	s5 =	simm.s32 @!p2 $0x0  }
0x1d: {  	s5 =	simm.s32 @p1 $0x1;
	p0 =	seq.s32 s7, s2  }
0x1e: {  	s7 =	smul.u32 @!p0 $0xF7A, s2;
	p2 =	seq.s32 @!p0 s5, $0x0  }
0x1f: {  	s9 =	smul.u32 $0xF7A, s1;
	s8 =	simm.s32 @!p0 $0x1BF5;
	p2 =	por !p2, p0  }
0x20: {  	[sflag:s8] =	ssyncset.s32 @!p0 $0xFFFFF086;
	s6 =	sadd.s32 @!p0 s3, s7;
	s7 =	simm.s32 @!p0 $0x108  }
0x21: {  	s3 =	sadd.s32 s3, s9;
	s6 =	sadd.s32 @!p0 $0x88, s6;
	s7 =	simm.s32 @p2 $0x1082  }
0x22: {  	[simem:s7], [sflag:s8] =	dma.local @!p0 [hbm:s6], $0xF7A  }
0x23: {  	s9 =	sor.u32 $0xD0000000, s2;
	s6 =	simm.s32 $0x108;
	_ =	swait.ge @!p0 [sflag:s8], $0x0  }
0x24: {  	s3 =	sadd.s32 $0x88, s3;
	s6 =	simm.s32 @!p1 $0x1082;
	[sflag:s4] =	ssyncset.s32 $0xFFFFF086  }
0x25: {  	[simem:s6], [sflag:s4] =	dma.local [hbm:s3], $0xF7A  }
0x26: {  	[smem:$0x3F9E] =	sst s1;
	(tag) =	ssettag s2;
	_ =	strace s9  }
0x27: {  	s1 =	sld [smem:$0x3FAE]  }
0x28: {  	s2 =	sld [smem:$0x3FAF]  }
0x29: {  	s4 =	sld [smem:$0x3FB1]  }
0x2a: {  	p0 =	seq.s32 s5, $0x0;
	s5 =	sld [smem:$0x3FB2]  }
0x2b: {  	s6 =	sld [smem:$0x3FB3]  }
0x2c: {  	s7 =	sld [smem:$0x3FB4]  }
0x2d: {  	s3 =	simm.s32 $0x108;
	s8 =	sld [smem:$0x3FB5]  }
0x2e: {  	s3 =	simm.s32 @!p0 $0x1082;
	s9 =	sld [smem:$0x3FB6]  }
0x2f: {  	lr =	sadd.s32 s0, s3;
	s0 =	sld [smem:$0x3FAD]  }
0x30: {  	s3 =	sld [smem:$0x3FB0]  }
0x31: {  	[smem:$0x3FB9] =	sst s10  }
0x32: {  	s10 =	sld [smem:$0x3FB7];
	_ =	sdelay $0x3  }
0x33: {  	p0 =	seq.s32 s10, $0x1;
	s10 =	sld [smem:$0x3FB9];
	_ =	sdelay $0x3  }
0x34: {  	[smem:$0x3FB9] =	sst s10  }
0x35: {  	s10 =	sld [smem:$0x3FB8];
	_ =	sdelay $0x3  }
0x36: {  	p1 =	seq.s32 s10, $0x1;
	s10 =	sld [smem:$0x3FB9];
	_ =	sdelay $0x3  }
0x37: {  	[smem:$0x3FB9] =	sst s10  }
0x38: {  	s10 =	sld [smem:$0x3FBA]  }
0x39: {  	_ = 	snop;
	(pc) =	sbr.ind lr, $3  }
0x3a: {  	_ = 	snop  }
0x3b: {  	_ = 	snop  }
0x3c: {  	p2 =	seq.s32 s10, $0x1;
	s10 =	sld [smem:$0x3FB9]  }
0x3d: {  	_ =	shalt  }
0x3e: {  	_ =	shalt  }
0x3f: {  	_ =	shalt  }
0x40: {  	_ =	shalt  }
0x41: {  	_ =	shalt  }
0x42: {  	_ =	shalt  }
0x43: {  	_ =	shalt  }
0x44: {  	_ =	shalt  }
0x45: {  	_ =	shalt  }
0x46: {  	_ =	shalt  }
0x47: {  	_ =	shalt  }
0x48: {  	_ =	shalt  }
0x49: {  	_ =	shalt  }
0x4a: {  	_ =	shalt  }
0x4b: {  	_ =	shalt  }
0x4c: {  	_ =	shalt  }
0x4d: {  	_ =	shalt  }
0x4e: {  	_ =	shalt  }
0x4f: {  	_ =	shalt  }
0x50: {  	_ =	shalt  }
0x51: {  	_ =	shalt  }
0x52: {  	_ =	shalt  }
0x53: {  	_ =	shalt  }
0x54: {  	_ =	shalt  }
0x55: {  	_ =	shalt  }
0x56: {  	_ =	shalt  }
0x57: {  	_ =	shalt  }
0x58: {  	_ =	shalt  }
0x59: {  	_ =	shalt  }
0x5a: {  	_ =	shalt  }
0x5b: {  	_ =	shalt  }
0x5c: {  	_ =	shalt  }
0x5d: {  	_ =	shalt  }
0x5e: {  	_ =	shalt  }
0x5f: {  	_ =	shalt  }
0x60: {  	_ =	shalt  }
0x61: {  	_ =	shalt  }
0x62: {  	_ =	shalt  }
0x63: {  	_ =	shalt  }
0x64: {  	_ =	shalt  }
0x65: {  	_ =	shalt  }
0x66: {  	_ =	shalt  }
0x67: {  	_ =	shalt  }
0x68: {  	_ =	shalt  }
0x69: {  	_ =	shalt  }
0x6a: {  	_ =	shalt  }
0x6b: {  	_ =	shalt  }
0x6c: {  	_ =	shalt  }
0x6d: {  	_ =	shalt  }
0x6e: {  	_ =	shalt  }
0x6f: {  	_ =	shalt  }
0x70: {  	_ =	shalt  }
0x71: {  	_ =	shalt  }
0x72: {  	_ =	shalt  }
0x73: {  	_ =	shalt  }
0x74: {  	_ =	shalt  }
0x75: {  	_ =	shalt  }
0x76: {  	_ =	shalt  }
0x77: {  	_ =	shalt  }
0x78: {  	_ =	shalt  }
0x79: {  	_ =	shalt  }
0x7a: {  	_ =	shalt  }
0x7b: {  	_ =	shalt  }
0x7c: {  	_ =	shalt  }
0x7d: {  	_ =	shalt  }
0x7e: {  	_ =	shalt  }
0x7f: {  	_ =	shalt  }
0x80: {  	_ =	shalt  }
0x81: {  	_ =	shalt  }
0x82: {  	_ =	shalt  }
0x83: {  	_ =	shalt  }
0x84: {  	_ =	shalt  }
0x85: {  	_ =	shalt  }
0x86: {  	_ =	shalt  }
0x87: {  	_ =	shalt  }
.Lfunc_end0:
.L_simem_size_0:
called_computation_lowered:
.L_overlay_start_0:
0x88: {  	s2 =	sld [smem:$0x3FD9]  }
0x89: {  	s3 =	sld [smem:$0x3FFE];
	_ =	sdelay $0x1  }
0x8a: {  	s1 =	srdreg.scid  }
0x8b: {  	s0 =	sand.u32 $0x1, s1  }
0x8c: {  	s17 =	sshll.u32 s0, $0xA;
	s2 =	sadd.s32 s3, s2  }
0x8d: {  	s2 =	sadd.s32 s2, s17  }
0x8e: {  	[smem:$0x3FC5] =	sst s2  }
0x8f: {  	_ = 	snop  }
0x90: {  	s2 =	sld [smem:$0x3FC9]  }
0x91: {  	s18 =	sld [smem:$0x3FC8];
	(tm) =	ssettm $0x1  }
0x92: {  	s4 =	sld [smem:$0x3FFB];
	_ =	sdelay $0x3  }
0x93: {  	_ =	strace s4  }
0x94: {  	s4 =	sld [smem:$0x3FFC];
	_ =	sdelay $0x3  }
0x95: {  	_ =	strace s4  }
0x96: {  	s4 =	sld [smem:$0x3FFD];
	_ =	sdelay $0x3  }
0x97: {  	_ =	strace s4  }
0x98: {  	_ =	strace $0x8FFFFFFF  }
0x99: {  	s19 =	sld [smem:$0x3FDB];
	_ =	sdelay $0x1  }
0x9a: {  	s5 =	simm.s32 $_scs_section_size  }
0x9b: {  	s6 =	simm.s32 $_size__tile_overlayer_lowered;
	s7 =	simm.s32 $_tile_overlayer_lowered  }
0x9c: {  	s22 =	simm.s32 $0x1BFF;
	s21 =	sshll.u32 s7, $0x1;
	s4 =	sadd.s32 s5, s19  }
0x9d: {  	s8 =	simm.s32 $0x0;
	s20 =	sshll.u32 s6, $0x1;
	s6 =	sadd.s32 s21, s4  }
0x9e: {  	[timem:s8], [sflag:s22] =	dma.local [hbm:s6], s20  }
0x9f: {  	_ =	swait.ge [sflag:s22], s20  }
0xa0: {  	s5 =	ssub.s32 $0x0, s20;
	[sflag:s22] =	ssyncset.done $0x0  }
0xa1: {  	[sflag:s22] =	ssyncadd.s32 s5;
	_ =	sdelay $0x1  }
0xa2: {  	s23 =	simm.s32 $0x1B8B  }
0xa3: {  	_ =	swait.ge [sflag:s23], $0x1  }
0xa4: {  	[sflag:s23] =	ssyncset.done $0x0  }
0xa5: {  	s25 =	simm.s32 $0x1B8E;
	s24 =	sld [smem:$0x3FFE];
	[sflag:s23] =	ssyncadd.s32 $0xFFFFFFFF  }
0xa6: {  	s26 =	simm.s32 $execute0_lowered;
	[smem:$0x3FD2] =	sst s25  }
0xa7: {  	s6 =	sshll.u32 s26, $0x1;
	_ =	strace $0x80000046;
	[dreg:$0x1] =	wrdreg $0xFFFFFFFF  }
0xa8: {  	s28 =	simm.s32 $_size_execute0_lowered;
	s4 =	sadd.s32 s4, s6;
	[dreg:$0x0] =	wrdreg $0x0  }
0xa9: {  	s6 =	sshll.u32 s28, $0x1;
	[dreg:$0x2] =	wrdreg s4  }
0xaa: {  	[dreg:$0x3] =	wrdreg s6  }
0xab: {  	[dreg:$0x4] =	wrdreg $0xC0  }
0xac: {  	_ =	task [dreg:s8], $0x5FFFF  }
0xad: {  	[dreg:$0x1] =	wrdreg $0xFFFFFFFF  }
0xae: {  	[dreg:$0x0] =	wrdreg $0x60  }
0xaf: {  	[dreg:$0x2] =	wrdreg s2  }
0xb0: {  	[dreg:$0x3] =	wrdreg s18  }
0xb1: {  	[dreg:$0x4] =	wrdreg s24  }
0xb2: {  	[dreg:$0x5] =	wrdreg $0x9  }
0xb3: {  	_ =	task.clear_ibuf [dreg:s8], $0x6FFFF;
	_ =	strace $0x90000046  }
0xb4: {  	s29 =	simm.s32 $0x9;
	_ =	strace $0x80000048  }
0xb5: {  	_ =	swait.ge [sflag:s29], $0x1  }
0xb6: {  	[sflag:s29] =	ssyncadd.s32 $0xFFFFFFFF  }
0xb7: {  	_ =	strace $0x90000048  }
0xb8: {  	_ =	sfence  }
0xb9: {  	s30 =	sld [smem:$0x0];
	_ =	sdelay $0x2  }
0xba: {  	s31 =	sshll.u32 s1, $0xD;
	s1 =	sshrl.u32 s1, $0x2  }
0xbb: {  	s3 =	sand.u32 $0x4000, s31;
	s1 =	sadd.s32 s1, s30  }
0xbc: {  	s0 =	sor.u32 s3, s0;
	s1 =	sshll.u32 s1, $0x11  }
0xbd: {  	s0 =	sor.u32 s1, s0  }
0xbe: {  	s0 =	sadd.s32 $0x8F2B, s0  }
0xbf: {  	[sflag:s0] =	ssyncadd.remote.s32 $0x1  }
0xc0: {  	_ =	sfence.sel $0xFFFF  }
0xc1: {  	[dreg:$0x0] =	wrdreg $0xFFFFFFFF;
	(pc) =	sbr.abs _section_cstart, $3  }
0xc2: {  	[dreg:$0x1] =	wrdreg $0xFFFFFFFF  }
0xc3: {  	_ =	task.clear_ibuf [dreg:s8], $0x2FFFF;
	_ =	strace $0x9FFFFFFF  }
0xc4: {  	(tm) =	ssettm $0x7FFFFFFF  }
0xc5: {  	_ =	shalt  }
tec
execute0_lowered:
.L_overlay_start_1:
0x0: {  	(tag) =	ssettag $0x1  }
0x1: {  	s4 =	rddreg [dreg:$0x0]  }
0x2: {  	s5 =	rddreg [dreg:$0x1]  }
0x3: {  	s6 =	rddreg [dreg:$0x2];
	s3 =	srdreg.scid;
	s2 =	simm.s32 $0x0  }
0x4: {  	s0 =	stileid.u32;
	s11 =	simm.s32 $0x0;
	s7 =	sand.u32 $0x1, s3  }
0x5: {  	[smem:$0x7FF] =	sst s2;
	s30 =	sshll.u32 s0, $0xA;
	s8 =	sshll.u32 s7, $0x9  }
0x6: {  	s3 =	sadd.s32 $0x400, s6;
	s7 =	ssub.s32 $0x2, s7;
	s8 =	sor.u32 s8, s30  }
0x7: {  	_ =	strace $0x80000047;
	s31 =	sshrl.u32 s7, $0x1;
	s9 =	sshll.u32 s8, $0x4  }
0x8: {  	s8 =	sshrl.u32 s8, $0x3;
	s7 =	ssub.s32 s7, s31;
	s6 =	sadd.s32 s9, s6  }
0x9: {  	s4 =	sadd.s32 s4, s8;
	s5 =	sadd.s32 s5, s8;
	s7 =	smax.u32 s7, $0x1  }
0xa: {  	s8 =	simm.s32 $0x2;
	s9 =	simm.s32 $0x1;
	s6 =	sadd.s32 $0xF42800, s6  }
.LBB2_1:
0xb: {  	[tilespmem:s2], [sflag:$0x2] =	stream.linear.gather [hbm4b:s4+s2], $0x200, $0x38;
	[tilespmem:$0x10400] =	vst v63  }
0xc: {  	_ =	swait.ge [sflag:s8], $0x200  }
0xd: {  	[sflag:s8] =	ssyncset.done $0x0  }
0xe: {  	s14 =	simm.s32 $0x200;
	[sflag:s8] =	ssyncadd.s32 $0xFFFFFE00  }
0xf: {  	[tilespmem:s14], [sflag:$0x2] =	stream.linear.gather [hbm4b:s5+s2], $0x200, $0x38;
	[tilespmem:$0x10400] =	vst v63  }
0x10: {  	_ =	swait.ge [sflag:s8], $0x200  }
0x11: {  	[sflag:s8] =	ssyncset.done $0x0  }
0x12: {  	[sflag:s8] =	ssyncadd.s32 $0xFFFFFE00  }
0x13: {  	v0 =	vld [tilespmem:s2+$0x0];
	_ =	sdelay $0x1  }
0x14: {  	v1 =	vld [tilespmem:s14+$0x0];
	_ =	sdelay $0x2  }
0x15: {  	v0 =	vmul.u32 $0x3E8, v0;
	_ =	sdelay $0x1  }
0x16: {  	v0 =	vadd.s32 v1, v0  }
0x17: {  	v0 =	vshll.u32 v0, $0x4  }
0x18: {  	(v2sf) =	vpush v0, $0x0  }
0x19: {  	(v2sf) =	vpush v0, $0x1  }
0x1a: {  	(v2sf) =	vpush v0, $0x2;
	_ =	sdelay $0x1  }
0x1b: {  	(v2sf) =	vpush v0, $0x4;
	_ =	sdelay $0x1  }
0x1c: {  	(v2sf) =	vpush v0, $0x3  }
0x1d: {  	(v2sf) =	vpush v0, $0x5  }
0x1e: {  	s15 =	simm.s32 $0x2000;
	s13 =	simm.s32 $0x0;
	s16 =	simm.s32 $0x0;
	(v2sf) =	vpush v0, $0x6  }
.LBB2_2:
0x1f: {  	s26 =	sadd.s32 $0x480, s13  }
0x20: {  	s18 =	sadd.s32 $0x980, s13;
	s16 =	sadd.s32 $0x10, s16;
	s17 =	smov.u32 s15  }
0x21: {  	p0 =	sne.s32 s15, $0xE000;
	s22 =	sadd.s32 $0x780, s13;
	s19 =	sadd.s32 $0xA00, s13;
	(v2sf) =	vpush v0, $0x7  }
0x22: {  	s25 =	sadd.s32 $0x680, s13;
	s21 =	sadd.s32 $0x800, s13;
	s20 =	sadd.s32 $0xA80, s13  }
0x23: {  	s15 =	sadd.s32 $0x2000, s15;
	s28 =	sadd.s32 $0x400, s13;
	s29 =	sadd.s32 $0x600, s13;
	(v2sf) =	vpush v0, $0x8  }
0x24: {  	s12 =	simm.s32 $0x0;
	s30 =	sadd.s32 $0x700, s13;
	s14 =	sadd.s32 $0x10, s14  }
0x25: {  	s31 =	sadd.s32 $0x500, s13;
	s23 =	sadd.s32 $0x900, s13;
	s24 =	spop (v2sf);
	(v2sf) =	vpush v0, $0x9  }
0x26: {  	s0 =	sand.u32 $0x1FFFFFF0, s24;
	s24 =	sadd.s32 $0x880, s13;
	s1 =	spop (v2sf)  }
0x27: {  	s0 =	sadd.s32 s3, s0;
	s1 =	sand.u32 $0x1FFFFFF0, s1;
	s10 =	spop (v2sf);
	(v2sf) =	vpush v0, $0xA  }
0x28: {  	[tilespmem:s28], [sflag:$0x1] =	stream.linear.gather [hbm4b:s0+s12], $0x80, $0x38;
	[tilespmem:$0x10400] =	vst v63  }
0x29: {  	s0 =	sadd.s32 s3, s1;
	s1 =	sadd.s32 $0x580, s13;
	s28 =	spop (v2sf);
	(v2sf) =	vpush v0, $0xB  }
0x2a: {  	[tilespmem:s26], [sflag:$0x1] =	stream.linear.gather [hbm4b:s0+s12], $0x80, $0x38;
	[tilespmem:$0x10400] =	vst v63  }
0x2b: {  	s0 =	sand.u32 $0x1FFFFFF0, s10;
	s10 =	sand.u32 $0x1FFFFFF0, s28;
	s26 =	spop (v2sf);
	(v2sf) =	vpush v0, $0xC  }
0x2c: {  	s0 =	sadd.s32 s3, s0;
	s26 =	sand.u32 $0x1FFFFFF0, s26;
	s28 =	spop (v2sf)  }
0x2d: {  	[tilespmem:s31], [sflag:$0x1] =	stream.linear.gather [hbm4b:s0+s12], $0x80, $0x38;
	(v2sf) =	vpush v0, $0xD;
	[tilespmem:$0x10400] =	vst v63  }
0x2e: {  	s0 =	sadd.s32 s3, s26;
	s26 =	sand.u32 $0x1FFFFFF0, s28;
	s28 =	spop (v2sf)  }
0x2f: {  	[tilespmem:s1], [sflag:$0x1] =	stream.linear.gather [hbm4b:s0+s12], $0x80, $0x38;
	(v2sf) =	vpush v0, $0xE;
	[tilespmem:$0x10400] =	vst v63  }
0x30: {  	s0 =	sadd.s32 s3, s10;
	s1 =	sand.u32 $0x1FFFFFF0, s28;
	s10 =	spop (v2sf)  }
0x31: {  	[tilespmem:s29], [sflag:$0x1] =	stream.linear.gather [hbm4b:s0+s12], $0x80, $0x38;
	(v2sf) =	vpush v0, $0xF;
	[tilespmem:$0x10400] =	vst v63  }
0x32: {  	s0 =	sadd.s32 s3, s26;
	s10 =	sand.u32 $0x1FFFFFF0, s10;
	s26 =	spop (v2sf)  }
0x33: {  	[tilespmem:s25], [sflag:$0x1] =	stream.linear.gather [hbm4b:s0+s12], $0x80, $0x38;
	[tilespmem:$0x10400] =	vst v63  }
0x34: {  	s0 =	sadd.s32 s3, s1;
	s1 =	sand.u32 $0x1FFFFFF0, s26;
	s25 =	spop (v2sf)  }
0x35: {  	[tilespmem:s30], [sflag:$0x1] =	stream.linear.gather [hbm4b:s0+s12], $0x80, $0x38;
	[tilespmem:$0x10400] =	vst v63  }
0x36: {  	s0 =	sadd.s32 s3, s10;
	s10 =	sand.u32 $0x1FFFFFF0, s25;
	s25 =	spop (v2sf)  }
0x37: {  	[tilespmem:s22], [sflag:$0x1] =	stream.linear.gather [hbm4b:s0+s12], $0x80, $0x38;
	[tilespmem:$0x10400] =	vst v63  }
0x38: {  	s0 =	sadd.s32 s3, s1;
	s1 =	sand.u32 $0x1FFFFFF0, s25;
	s22 =	spop (v2sf)  }
0x39: {  	[tilespmem:s21], [sflag:$0x1] =	stream.linear.gather [hbm4b:s0+s12], $0x80, $0x38;
	[tilespmem:$0x10400] =	vst v63  }
0x3a: {  	s0 =	sadd.s32 s3, s10;
	s10 =	sand.u32 $0x1FFFFFF0, s22;
	s21 =	spop (v2sf)  }
0x3b: {  	[tilespmem:s24], [sflag:$0x1] =	stream.linear.gather [hbm4b:s0+s12], $0x80, $0x38;
	[tilespmem:$0x10400] =	vst v63  }
0x3c: {  	s0 =	sadd.s32 s3, s1;
	s1 =	sand.u32 $0x1FFFFFF0, s21;
	s21 =	spop (v2sf)  }
0x3d: {  	[tilespmem:s23], [sflag:$0x1] =	stream.linear.gather [hbm4b:s0+s12], $0x80, $0x38;
	[tilespmem:$0x10400] =	vst v63  }
0x3e: {  	s0 =	sadd.s32 s3, s10;
	s10 =	sand.u32 $0x1FFFFFF0, s21;
	s21 =	spop (v2sf)  }
0x3f: {  	[tilespmem:s18], [sflag:$0x1] =	stream.linear.gather [hbm4b:s0+s12], $0x80, $0x38;
	[tilespmem:$0x10400] =	vst v63  }
0x40: {  	s0 =	sadd.s32 s3, s1;
	s1 =	sand.u32 $0x1FFFFFF0, s21;
	s18 =	spop (v2sf)  }
0x41: {  	[tilespmem:s19], [sflag:$0x1] =	stream.linear.gather [hbm4b:s0+s12], $0x80, $0x38;
	[tilespmem:$0x10400] =	vst v63  }
0x42: {  	s0 =	sadd.s32 s3, s10;
	s10 =	sand.u32 $0x1FFFFFF0, s18  }
0x43: {  	[tilespmem:s20], [sflag:$0x1] =	stream.linear.gather [hbm4b:s0+s12], $0x80, $0x38;
	[tilespmem:$0x10400] =	vst v63  }
0x44: {  	s1 =	sadd.s32 s3, s1;
	s0 =	sadd.s32 $0xB00, s13  }
0x45: {  	[tilespmem:s0], [sflag:$0x1] =	stream.linear.gather [hbm4b:s1+s12], $0x80, $0x38;
	[tilespmem:$0x10400] =	vst v63  }
0x46: {  	s0 =	sadd.s32 $0xB80, s13;
	s1 =	sadd.s32 s3, s10  }
0x47: {  	[tilespmem:s0], [sflag:$0x1] =	stream.linear.gather [hbm4b:s1+s12], $0x80, $0x38;
	[tilespmem:$0x10400] =	vst v63  }
0x48: {  	v0 =	vld [tilespmem:s16+$0x0]  }
0x49: {  	v1 =	vld [tilespmem:s14+$0x0];
	_ =	sdelay $0x3  }
0x4a: {  	v0 =	vmul.u32 $0x3E8, v0;
	_ =	sdelay $0x1  }
0x4b: {  	v0 =	vadd.s32 v1, v0  }
0x4c: {  	v0 =	vshll.u32 v0, $0x4  }
0x4d: {  	(v2sf) =	vpush v0, $0x0  }
0x4e: {  	(v2sf) =	vpush v0, $0x1  }
0x4f: {  	(v2sf) =	vpush v0, $0x2;
	_ =	sdelay $0x1  }
0x50: {  	(v2sf) =	vpush v0, $0x4  }
.Ltmp0:
0x51: {  	(pc) =	sbr.rel @p0 .LBB2_2-.Ltmp0, $3  }
0x52: {  	(v2sf) =	vpush v0, $0x3  }
0x53: {  	(v2sf) =	vpush v0, $0x5;
	_ =	sdelay $0x1  }
0x54: {  	s13 =	sshra.s32 s17, $0x2;
	(v2sf) =	vpush v0, $0x6  }
0x55: {  	_ =	sdelay $0x1  }
0x56: {  	s0 =	sadd.s32 $0x480, s13;
	s16 =	sadd.s32 $0x980, s13  }
0x57: {  	s1 =	sadd.s32 $0x780, s13;
	s14 =	sadd.s32 $0xA00, s13;
	(v2sf) =	vpush v0, $0x7;
	s10 =	sadd.s32 $0x680, s13  }
0x58: {  	s17 =	sadd.s32 $0x800, s13;
	s15 =	sadd.s32 $0xA80, s13;
	s18 =	sadd.s32 $0x400, s13  }
0x59: {  	s19 =	sadd.s32 $0x600, s13;
	s20 =	sadd.s32 $0x700, s13;
	(v2sf) =	vpush v0, $0x8;
	s21 =	spop (v2sf)  }
0x5a: {  	s22 =	sadd.s32 $0x500, s13;
	s21 =	sand.u32 $0x1FFFFFF0, s21;
	s23 =	spop (v2sf)  }
0x5b: {  	(v2sf) =	vpush v0, $0x9;
	s21 =	sadd.s32 s3, s21;
	s23 =	sand.u32 $0x1FFFFFF0, s23;
	s24 =	spop (v2sf)  }
0x5c: {  	[tilespmem:s18], [sflag:$0x1] =	stream.linear.gather [hbm4b:s21+s12], $0x80, $0x38;
	[tilespmem:$0x10400] =	vst v63  }
0x5d: {  	s25 =	sadd.s32 $0x580, s13;
	(v2sf) =	vpush v0, $0xA;
	s30 =	sadd.s32 s3, s23;
	s31 =	spop (v2sf)  }
0x5e: {  	[tilespmem:s0], [sflag:$0x1] =	stream.linear.gather [hbm4b:s30+s12], $0x80, $0x38;
	[tilespmem:$0x10400] =	vst v63  }
0x5f: {  	s18 =	sadd.s32 $0x900, s13;
	s24 =	sand.u32 $0x1FFFFFF0, s24;
	(v2sf) =	vpush v0, $0xB;
	s26 =	spop (v2sf)  }
0x60: {  	s21 =	sadd.s32 s3, s24;
	s0 =	sadd.s32 $0x880, s13;
	s24 =	sand.u32 $0x1FFFFFF0, s26  }
0x61: {  	(v2sf) =	vpush v0, $0xC;
	[tilespmem:s22], [sflag:$0x1] =	stream.linear.gather [hbm4b:s21+s12], $0x80, $0x38;
	[tilespmem:$0x10400] =	vst v63  }
0x62: {  	s28 =	sand.u32 $0x1FFFFFF0, s31;
	s29 =	spop (v2sf);
	s30 =	sadd.s32 s3, s24  }
0x63: {  	(v2sf) =	vpush v0, $0xD;
	[tilespmem:s25], [sflag:$0x1] =	stream.linear.gather [hbm4b:s30+s12], $0x80, $0x38;
	[tilespmem:$0x10400] =	vst v63  }
0x64: {  	s21 =	sadd.s32 s3, s28;
	s22 =	sand.u32 $0x1FFFFFF0, s29;
	s31 =	spop (v2sf)  }
0x65: {  	(v2sf) =	vpush v0, $0xE;
	[tilespmem:s19], [sflag:$0x1] =	stream.linear.gather [hbm4b:s21+s12], $0x80, $0x38;
	[tilespmem:$0x10400] =	vst v63  }
0x66: {  	s22 =	sadd.s32 s3, s22;
	s23 =	sand.u32 $0x1FFFFFF0, s31;
	s24 =	spop (v2sf)  }
0x67: {  	(v2sf) =	vpush v0, $0xF;
	[tilespmem:s10], [sflag:$0x1] =	stream.linear.gather [hbm4b:s22+s12], $0x80, $0x38;
	[tilespmem:$0x10400] =	vst v63  }
0x68: {  	s25 =	sand.u32 $0x1FFFFFF0, s24;
	s26 =	spop (v2sf);
	s19 =	sadd.s32 s3, s23  }
0x69: {  	[tilespmem:s20], [sflag:$0x1] =	stream.linear.gather [hbm4b:s19+s12], $0x80, $0x38;
	[tilespmem:$0x10400] =	vst v63  }
0x6a: {  	s28 =	sand.u32 $0x1FFFFFF0, s26;
	s10 =	sadd.s32 s3, s25;
	s29 =	spop (v2sf)  }
0x6b: {  	[tilespmem:s1], [sflag:$0x1] =	stream.linear.gather [hbm4b:s10+s12], $0x80, $0x38;
	[tilespmem:$0x10400] =	vst v63  }
0x6c: {  	s19 =	sadd.s32 s3, s28;
	s30 =	sand.u32 $0x1FFFFFF0, s29;
	s31 =	spop (v2sf)  }
0x6d: {  	[tilespmem:s17], [sflag:$0x1] =	stream.linear.gather [hbm4b:s19+s12], $0x80, $0x38;
	[tilespmem:$0x10400] =	vst v63  }
0x6e: {  	s10 =	sand.u32 $0x1FFFFFF0, s31;
	s1 =	sadd.s32 s3, s30;
	s19 =	spop (v2sf)  }
0x6f: {  	[tilespmem:s0], [sflag:$0x1] =	stream.linear.gather [hbm4b:s1+s12], $0x80, $0x38;
	[tilespmem:$0x10400] =	vst v63  }
0x70: {  	s10 =	sadd.s32 s3, s10;
	s20 =	sand.u32 $0x1FFFFFF0, s19;
	s21 =	spop (v2sf)  }
0x71: {  	[tilespmem:s18], [sflag:$0x1] =	stream.linear.gather [hbm4b:s10+s12], $0x80, $0x38;
	[tilespmem:$0x10400] =	vst v63  }
0x72: {  	s0 =	sadd.s32 s3, s20;
	s1 =	sand.u32 $0x1FFFFFF0, s21;
	s22 =	spop (v2sf)  }
0x73: {  	[tilespmem:s16], [sflag:$0x1] =	stream.linear.gather [hbm4b:s0+s12], $0x80, $0x38;
	[tilespmem:$0x10400] =	vst v63  }
0x74: {  	s23 =	sand.u32 $0x1FFFFFF0, s22;
	s24 =	spop (v2sf);
	s1 =	sadd.s32 s3, s1  }
0x75: {  	[tilespmem:s14], [sflag:$0x1] =	stream.linear.gather [hbm4b:s1+s12], $0x80, $0x38;
	[tilespmem:$0x10400] =	vst v63  }
0x76: {  	s25 =	sand.u32 $0x1FFFFFF0, s24;
	s26 =	spop (v2sf);
	s0 =	sadd.s32 s3, s23  }
0x77: {  	[tilespmem:s15], [sflag:$0x1] =	stream.linear.gather [hbm4b:s0+s12], $0x80, $0x38;
	[tilespmem:$0x10400] =	vst v63  }
0x78: {  	s29 =	sadd.s32 $0xB00, s13;
	s28 =	sand.u32 $0x1FFFFFF0, s26;
	s1 =	sadd.s32 s3, s25  }
0x79: {  	[tilespmem:s29], [sflag:$0x1] =	stream.linear.gather [hbm4b:s1+s12], $0x80, $0x38;
	[tilespmem:$0x10400] =	vst v63  }
0x7a: {  	s30 =	sadd.s32 $0xB80, s13;
	s0 =	sadd.s32 s3, s28  }
0x7b: {  	[tilespmem:s30], [sflag:$0x1] =	stream.linear.gather [hbm4b:s0+s12], $0x80, $0x38;
	[tilespmem:$0x10400] =	vst v63  }
0x7c: {  	s12 =	simm.s32 $0x80  }
0x7d: {  	v63 =	vld [tilespmem:s12+$0x0]  }
0x7e: {  	s13 =	simm.s32 $0x280  }
0x7f: {  	v1 =	vld [tilespmem:s13+$0x0];
	_ =	sdelay $0x2  }
0x80: {  	v0 =	vmul.u32 $0x3E8, v63;
	_ =	sdelay $0x1  }
0x81: {  	v0 =	vadd.s32 v1, v0  }
0x82: {  	v0 =	vshll.u32 v0, $0x4  }
0x83: {  	(v2sf) =	vpush v0, $0x0  }
0x84: {  	(v2sf) =	vpush v0, $0x1  }
0x85: {  	(v2sf) =	vpush v0, $0x2;
	_ =	sdelay $0x1  }
0x86: {  	(v2sf) =	vpush v0, $0x3;
	_ =	sdelay $0x1  }
0x87: {  	(v2sf) =	vpush v0, $0x4;
	_ =	sdelay $0x1  }
0x88: {  	(v2sf) =	vpush v0, $0x5;
	_ =	sdelay $0x1  }
0x89: {  	(v2sf) =	vpush v0, $0x6  }
0x8a: {  	s31 =	simm.s32 $0x4400;
	s19 =	simm.s32 $0x4680  }
0x8b: {  	s20 =	simm.s32 $0x4700;
	s21 =	simm.s32 $0x4900;
	s10 =	simm.s32 $0x4600;
	(v2sf) =	vpush v0, $0x7  }
0x8c: {  	s18 =	simm.s32 $0x4500;
	s22 =	simm.s32 $0x4800;
	s16 =	simm.s32 $0x4980  }
0x8d: {  	s23 =	simm.s32 $0x4880;
	s14 =	simm.s32 $0x4A80;
	s25 =	simm.s32 $0x4780;
	(v2sf) =	vpush v0, $0x8  }
0x8e: {  	s15 =	simm.s32 $0x4A00;
	s1 =	simm.s32 $0x4580;
	s28 =	spop (v2sf)  }
0x8f: {  	s0 =	simm.s32 $0x4480;
	(v2sf) =	vpush v0, $0x9;
	s24 =	sand.u32 $0x1FFFFFF0, s28;
	s26 =	spop (v2sf)  }
0x90: {  	s24 =	sadd.s32 s3, s24;
	s26 =	sand.u32 $0x1FFFFFF0, s26;
	s28 =	spop (v2sf)  }
0x91: {  	(v2sf) =	vpush v0, $0xA;
	[tilespmem:s31], [sflag:$0x1] =	stream.linear.gather [hbm4b:s24+s2], $0x80, $0x38;
	[tilespmem:$0x10400] =	vst v63  }
0x92: {  	s29 =	sadd.s32 s3, s26;
	s30 =	sand.u32 $0x1FFFFFF0, s28;
	s31 =	spop (v2sf)  }
0x93: {  	(v2sf) =	vpush v0, $0xB;
	[tilespmem:s0], [sflag:$0x1] =	stream.linear.gather [hbm4b:s29+s2], $0x80, $0x38;
	[tilespmem:$0x10400] =	vst v63  }
0x94: {  	s24 =	sadd.s32 s3, s30;
	s26 =	sand.u32 $0x1FFFFFF0, s31;
	s28 =	spop (v2sf)  }
0x95: {  	(v2sf) =	vpush v0, $0xC;
	[tilespmem:s18], [sflag:$0x1] =	stream.linear.gather [hbm4b:s24+s2], $0x80, $0x38;
	[tilespmem:$0x10400] =	vst v63  }
0x96: {  	s29 =	sadd.s32 s3, s26;
	s30 =	sand.u32 $0x1FFFFFF0, s28;
	s31 =	spop (v2sf)  }
0x97: {  	(v2sf) =	vpush v0, $0xD;
	[tilespmem:s1], [sflag:$0x1] =	stream.linear.gather [hbm4b:s29+s2], $0x80, $0x38;
	[tilespmem:$0x10400] =	vst v63  }
0x98: {  	s26 =	sand.u32 $0x1FFFFFF0, s31;
	s28 =	spop (v2sf);
	s24 =	sadd.s32 s3, s30  }
0x99: {  	(v2sf) =	vpush v0, $0xE;
	[tilespmem:s10], [sflag:$0x1] =	stream.linear.gather [hbm4b:s24+s2], $0x80, $0x38;
	[tilespmem:$0x10400] =	vst v63  }
0x9a: {  	s30 =	sand.u32 $0x1FFFFFF0, s28;
	s31 =	spop (v2sf);
	s29 =	sadd.s32 s3, s26  }
0x9b: {  	(v2sf) =	vpush v0, $0xF;
	[tilespmem:s19], [sflag:$0x1] =	stream.linear.gather [hbm4b:s29+s2], $0x80, $0x38;
	[tilespmem:$0x10400] =	vst v63  }
0x9c: {  	s17 =	sand.u32 $0x1FFFFFF0, s31;
	s18 =	spop (v2sf);
	s1 =	sadd.s32 s3, s30  }
0x9d: {  	[tilespmem:s20], [sflag:$0x1] =	stream.linear.gather [hbm4b:s1+s2], $0x80, $0x38;
	[tilespmem:$0x10400] =	vst v63  }
0x9e: {  	s19 =	sadd.s32 s3, s17;
	s20 =	sand.u32 $0x1FFFFFF0, s18;
	s24 =	spop (v2sf)  }
0x9f: {  	[tilespmem:s25], [sflag:$0x1] =	stream.linear.gather [hbm4b:s19+s2], $0x80, $0x38;
	[tilespmem:$0x10400] =	vst v63  }
0xa0: {  	s26 =	sand.u32 $0x1FFFFFF0, s24;
	s28 =	spop (v2sf);
	s25 =	sadd.s32 s3, s20  }
0xa1: {  	[tilespmem:s22], [sflag:$0x1] =	stream.linear.gather [hbm4b:s25+s2], $0x80, $0x38;
	[tilespmem:$0x10400] =	vst v63  }
0xa2: {  	s29 =	sadd.s32 s3, s26;
	s30 =	sand.u32 $0x1FFFFFF0, s28;
	s31 =	spop (v2sf)  }
0xa3: {  	[tilespmem:s23], [sflag:$0x1] =	stream.linear.gather [hbm4b:s29+s2], $0x80, $0x38;
	[tilespmem:$0x10400] =	vst v63  }
0xa4: {  	s1 =	sadd.s32 s3, s30;
	s17 =	sand.u32 $0x1FFFFFF0, s31;
	s18 =	spop (v2sf)  }
0xa5: {  	[tilespmem:s21], [sflag:$0x1] =	stream.linear.gather [hbm4b:s1+s2], $0x80, $0x38;
	[tilespmem:$0x10400] =	vst v63  }
0xa6: {  	s19 =	sadd.s32 s3, s17;
	s20 =	sand.u32 $0x1FFFFFF0, s18;
	s21 =	spop (v2sf)  }
0xa7: {  	[tilespmem:s16], [sflag:$0x1] =	stream.linear.gather [hbm4b:s19+s2], $0x80, $0x38;
	[tilespmem:$0x10400] =	vst v63  }
0xa8: {  	s22 =	sadd.s32 s3, s20;
	s23 =	sand.u32 $0x1FFFFFF0, s21;
	s24 =	spop (v2sf)  }
0xa9: {  	[tilespmem:s15], [sflag:$0x1] =	stream.linear.gather [hbm4b:s22+s2], $0x80, $0x38;
	[tilespmem:$0x10400] =	vst v63  }
0xaa: {  	s25 =	sadd.s32 s3, s23;
	s26 =	sand.u32 $0x1FFFFFF0, s24;
	s28 =	spop (v2sf)  }
0xab: {  	[tilespmem:s14], [sflag:$0x1] =	stream.linear.gather [hbm4b:s25+s2], $0x80, $0x38;
	[tilespmem:$0x10400] =	vst v63  }
0xac: {  	s29 =	simm.s32 $0x4B00;
	s1 =	sadd.s32 s3, s26;
	s10 =	sand.u32 $0x1FFFFFF0, s28  }
0xad: {  	[tilespmem:s29], [sflag:$0x1] =	stream.linear.gather [hbm4b:s1+s2], $0x80, $0x38;
	[tilespmem:$0x10400] =	vst v63  }
0xae: {  	s30 =	simm.s32 $0x4B80;
	s31 =	sadd.s32 s3, s10  }
0xaf: {  	[tilespmem:s30], [sflag:$0x1] =	stream.linear.gather [hbm4b:s31+s2], $0x80, $0x38;
	[tilespmem:$0x10400] =	vst v63  }
0xb0: {  	_ =	swait.ge [sflag:s9], $0x80  }
0xb1: {  	[sflag:s9] =	ssyncset.done $0x0  }
0xb2: {  	[sflag:s9] =	ssyncadd.s32 $0xFFFFFF80  }
0xb3: {  	_ =	swait.ge [sflag:s9], $0x80  }
0xb4: {  	[sflag:s9] =	ssyncset.done $0x0  }
0xb5: {  	[sflag:s9] =	ssyncadd.s32 $0xFFFFFF80  }
0xb6: {  	_ =	swait.ge [sflag:s9], $0x80  }
0xb7: {  	[sflag:s9] =	ssyncset.done $0x0  }
0xb8: {  	[sflag:s9] =	ssyncadd.s32 $0xFFFFFF80  }
0xb9: {  	_ =	swait.ge [sflag:s9], $0x80  }
0xba: {  	[sflag:s9] =	ssyncset.done $0x0  }
0xbb: {  	[sflag:s9] =	ssyncadd.s32 $0xFFFFFF80  }
0xbc: {  	_ =	swait.ge [sflag:s9], $0x80  }
0xbd: {  	[sflag:s9] =	ssyncset.done $0x0  }
0xbe: {  	[sflag:s9] =	ssyncadd.s32 $0xFFFFFF80  }
0xbf: {  	_ =	swait.ge [sflag:s9], $0x80  }
0xc0: {  	[sflag:s9] =	ssyncset.done $0x0  }
0xc1: {  	[sflag:s9] =	ssyncadd.s32 $0xFFFFFF80  }
0xc2: {  	_ =	swait.ge [sflag:s9], $0x80  }
0xc3: {  	[sflag:s9] =	ssyncset.done $0x0  }
0xc4: {  	[sflag:s9] =	ssyncadd.s32 $0xFFFFFF80  }
0xc5: {  	_ =	swait.ge [sflag:s9], $0x80  }
0xc6: {  	[sflag:s9] =	ssyncset.done $0x0  }
0xc7: {  	[sflag:s9] =	ssyncadd.s32 $0xFFFFFF80  }
0xc8: {  	s14 =	simm.s32 $0x2000;
	_ =	swait.ge [sflag:s9], $0x80  }
.LBB2_4:
0xc9: {  	[sflag:s9] =	ssyncset.done $0x0  }
0xca: {  	s12 =	sadd.s32 $0x10, s12;
	s13 =	sadd.s32 $0x10, s13;
	s0 =	smov.u32 s14  }
0xcb: {  	p0 =	sne.s32 s14, $0x2E000;
	s14 =	sadd.s32 $0x2000, s14;
	[sflag:s9] =	ssyncadd.s32 $0xFFFFFF80  }
0xcc: {  	_ =	swait.ge [sflag:s9], $0x80  }
0xcd: {  	[sflag:s9] =	ssyncset.done $0x0  }
0xce: {  	[sflag:s9] =	ssyncadd.s32 $0xFFFFFF80  }
0xcf: {  	_ =	swait.ge [sflag:s9], $0x80  }
0xd0: {  	[sflag:s9] =	ssyncset.done $0x0  }
0xd1: {  	[sflag:s9] =	ssyncadd.s32 $0xFFFFFF80  }
0xd2: {  	_ =	swait.ge [sflag:s9], $0x80  }
0xd3: {  	[sflag:s9] =	ssyncset.done $0x0  }
0xd4: {  	[sflag:s9] =	ssyncadd.s32 $0xFFFFFF80  }
0xd5: {  	_ =	swait.ge [sflag:s9], $0x80  }
0xd6: {  	[sflag:s9] =	ssyncset.done $0x0  }
0xd7: {  	[sflag:s9] =	ssyncadd.s32 $0xFFFFFF80  }
0xd8: {  	_ =	swait.ge [sflag:s9], $0x80  }
0xd9: {  	[sflag:s9] =	ssyncset.done $0x0  }
0xda: {  	[sflag:s9] =	ssyncadd.s32 $0xFFFFFF80  }
0xdb: {  	_ =	swait.ge [sflag:s9], $0x80  }
0xdc: {  	[sflag:s9] =	ssyncset.done $0x0  }
0xdd: {  	[sflag:s9] =	ssyncadd.s32 $0xFFFFFF80  }
0xde: {  	_ =	swait.ge [sflag:s9], $0x80  }
0xdf: {  	[sflag:s9] =	ssyncset.done $0x0  }
0xe0: {  	[sflag:s9] =	ssyncadd.s32 $0xFFFFFF80  }
0xe1: {  	v0 =	vld [tilespmem:s12+$0x0]  }
0xe2: {  	v1 =	vld [tilespmem:s13+$0x0];
	_ =	sdelay $0x1  }
0xe3: {  	s15 =	sshra.s32 s0, $0x2  }
0xe4: {  	s29 =	sadd.s32 $0x4480, s15;
	s24 =	sadd.s32 $0x4580, s15;
	s23 =	sadd.s32 $0x4600, s15  }
0xe5: {  	s0 =	sadd.s32 $0x4400, s15;
	s28 =	sadd.s32 $0x4500, s15;
	v0 =	vmul.u32 $0x3E8, v0  }
0xe6: {  	s21 =	sadd.s32 $0x4680, s15  }
0xe7: {  	v0 =	vadd.s32 v1, v0  }
0xe8: {  	s20 =	sadd.s32 $0x4700, s15;
	v0 =	vshll.u32 v0, $0x4  }
0xe9: {  	(v2sf) =	vpush v0, $0x0  }
0xea: {  	(v2sf) =	vpush v0, $0x1  }
0xeb: {  	(v2sf) =	vpush v0, $0x2;
	_ =	sdelay $0x1  }
0xec: {  	(v2sf) =	vpush v0, $0x3;
	_ =	sdelay $0x1  }
0xed: {  	(v2sf) =	vpush v0, $0x4;
	_ =	sdelay $0x1  }
0xee: {  	(v2sf) =	vpush v0, $0x5;
	_ =	sdelay $0x1  }
0xef: {  	(v2sf) =	vpush v0, $0x6;
	_ =	sdelay $0x1  }
0xf0: {  	(v2sf) =	vpush v0, $0x7  }
0xf1: {  	s17 =	sadd.s32 $0x4A80, s15;
	s16 =	sadd.s32 $0x4B80, s15  }
0xf2: {  	s22 =	sadd.s32 $0x4900, s15;
	s19 =	sadd.s32 $0x4980, s15;
	s18 =	sadd.s32 $0x4A00, s15;
	(v2sf) =	vpush v0, $0x8  }
0xf3: {  	s26 =	sadd.s32 $0x4800, s15;
	s25 =	sadd.s32 $0x4880, s15;
	s1 =	spop (v2sf)  }
0xf4: {  	s10 =	sadd.s32 $0x4780, s15;
	s1 =	sand.u32 $0x1FFFFFF0, s1;
	s30 =	spop (v2sf);
	(v2sf) =	vpush v0, $0x9  }
0xf5: {  	s1 =	sadd.s32 s3, s1;
	s30 =	sand.u32 $0x1FFFFFF0, s30;
	s31 =	spop (v2sf)  }
0xf6: {  	[tilespmem:s0], [sflag:$0x1] =	stream.linear.gather [hbm4b:s1+s2], $0x80, $0x38;
	(v2sf) =	vpush v0, $0xA;
	[tilespmem:$0x10400] =	vst v63  }
0xf7: {  	s0 =	sadd.s32 s3, s30;
	s1 =	sand.u32 $0x1FFFFFF0, s31;
	s30 =	spop (v2sf)  }
0xf8: {  	[tilespmem:s29], [sflag:$0x1] =	stream.linear.gather [hbm4b:s0+s2], $0x80, $0x38;
	(v2sf) =	vpush v0, $0xB;
	[tilespmem:$0x10400] =	vst v63  }
0xf9: {  	s0 =	sadd.s32 s3, s1;
	s1 =	sand.u32 $0x1FFFFFF0, s30;
	s29 =	spop (v2sf)  }
0xfa: {  	[tilespmem:s28], [sflag:$0x1] =	stream.linear.gather [hbm4b:s0+s2], $0x80, $0x38;
	(v2sf) =	vpush v0, $0xC;
	[tilespmem:$0x10400] =	vst v63  }
0xfb: {  	s0 =	sadd.s32 s3, s1;
	s1 =	sand.u32 $0x1FFFFFF0, s29;
	s28 =	spop (v2sf)  }
0xfc: {  	[tilespmem:s24], [sflag:$0x1] =	stream.linear.gather [hbm4b:s0+s2], $0x80, $0x38;
	(v2sf) =	vpush v0, $0xD;
	[tilespmem:$0x10400] =	vst v63  }
0xfd: {  	s0 =	sadd.s32 s3, s1;
	s1 =	sand.u32 $0x1FFFFFF0, s28;
	s24 =	spop (v2sf)  }
0xfe: {  	[tilespmem:s23], [sflag:$0x1] =	stream.linear.gather [hbm4b:s0+s2], $0x80, $0x38;
	(v2sf) =	vpush v0, $0xE;
	[tilespmem:$0x10400] =	vst v63  }
0xff: {  	s0 =	sadd.s32 s3, s1;
	s1 =	sand.u32 $0x1FFFFFF0, s24;
	s23 =	spop (v2sf)  }
0x100: {  	[tilespmem:s21], [sflag:$0x1] =	stream.linear.gather [hbm4b:s0+s2], $0x80, $0x38;
	(v2sf) =	vpush v0, $0xF;
	[tilespmem:$0x10400] =	vst v63  }
0x101: {  	s0 =	sadd.s32 s3, s1;
	s1 =	sand.u32 $0x1FFFFFF0, s23;
	s21 =	spop (v2sf)  }
0x102: {  	[tilespmem:s20], [sflag:$0x1] =	stream.linear.gather [hbm4b:s0+s2], $0x80, $0x38;
	[tilespmem:$0x10400] =	vst v63  }
0x103: {  	s0 =	sadd.s32 s3, s1;
	s1 =	sand.u32 $0x1FFFFFF0, s21;
	s20 =	spop (v2sf)  }
0x104: {  	[tilespmem:s10], [sflag:$0x1] =	stream.linear.gather [hbm4b:s0+s2], $0x80, $0x38;
	[tilespmem:$0x10400] =	vst v63  }
0x105: {  	s0 =	sadd.s32 s3, s1;
	s1 =	sand.u32 $0x1FFFFFF0, s20;
	s10 =	spop (v2sf)  }
0x106: {  	[tilespmem:s26], [sflag:$0x1] =	stream.linear.gather [hbm4b:s0+s2], $0x80, $0x38;
	[tilespmem:$0x10400] =	vst v63  }
0x107: {  	s0 =	sadd.s32 s3, s1;
	s1 =	sand.u32 $0x1FFFFFF0, s10;
	s10 =	spop (v2sf)  }
0x108: {  	[tilespmem:s25], [sflag:$0x1] =	stream.linear.gather [hbm4b:s0+s2], $0x80, $0x38;
	[tilespmem:$0x10400] =	vst v63  }
0x109: {  	s0 =	sadd.s32 s3, s1;
	s1 =	sand.u32 $0x1FFFFFF0, s10;
	s10 =	spop (v2sf)  }
0x10a: {  	[tilespmem:s22], [sflag:$0x1] =	stream.linear.gather [hbm4b:s0+s2], $0x80, $0x38;
	[tilespmem:$0x10400] =	vst v63  }
0x10b: {  	s0 =	sadd.s32 s3, s1;
	s1 =	sand.u32 $0x1FFFFFF0, s10;
	s10 =	spop (v2sf)  }
0x10c: {  	[tilespmem:s19], [sflag:$0x1] =	stream.linear.gather [hbm4b:s0+s2], $0x80, $0x38;
	[tilespmem:$0x10400] =	vst v63  }
0x10d: {  	s0 =	sadd.s32 s3, s1;
	s1 =	sand.u32 $0x1FFFFFF0, s10;
	s10 =	spop (v2sf)  }
0x10e: {  	[tilespmem:s18], [sflag:$0x1] =	stream.linear.gather [hbm4b:s0+s2], $0x80, $0x38;
	[tilespmem:$0x10400] =	vst v63  }
0x10f: {  	s0 =	sadd.s32 s3, s1;
	s1 =	sand.u32 $0x1FFFFFF0, s10;
	s10 =	spop (v2sf)  }
0x110: {  	[tilespmem:s17], [sflag:$0x1] =	stream.linear.gather [hbm4b:s0+s2], $0x80, $0x38;
	[tilespmem:$0x10400] =	vst v63  }
0x111: {  	s1 =	sadd.s32 s3, s1;
	s0 =	sadd.s32 $0x4B00, s15;
	s10 =	sand.u32 $0x1FFFFFF0, s10  }
0x112: {  	[tilespmem:s0], [sflag:$0x1] =	stream.linear.gather [hbm4b:s1+s2], $0x80, $0x38;
	[tilespmem:$0x10400] =	vst v63  }
0x113: {  	s0 =	sadd.s32 s3, s10  }
0x114: {  	[tilespmem:s16], [sflag:$0x1] =	stream.linear.gather [hbm4b:s0+s2], $0x80, $0x38;
	[tilespmem:$0x10400] =	vst v63  }
0x115: {  	_ =	swait.ge [sflag:s9], $0x80  }
0x116: {  	[sflag:s9] =	ssyncset.done $0x0  }
0x117: {  	[sflag:s9] =	ssyncadd.s32 $0xFFFFFF80  }
0x118: {  	_ =	swait.ge [sflag:s9], $0x80  }
0x119: {  	[sflag:s9] =	ssyncset.done $0x0  }
0x11a: {  	[sflag:s9] =	ssyncadd.s32 $0xFFFFFF80  }
0x11b: {  	_ =	swait.ge [sflag:s9], $0x80  }
0x11c: {  	[sflag:s9] =	ssyncset.done $0x0  }
0x11d: {  	[sflag:s9] =	ssyncadd.s32 $0xFFFFFF80  }
0x11e: {  	_ =	swait.ge [sflag:s9], $0x80  }
0x11f: {  	[sflag:s9] =	ssyncset.done $0x0  }
0x120: {  	[sflag:s9] =	ssyncadd.s32 $0xFFFFFF80  }
0x121: {  	_ =	swait.ge [sflag:s9], $0x80  }
0x122: {  	[sflag:s9] =	ssyncset.done $0x0  }
0x123: {  	[sflag:s9] =	ssyncadd.s32 $0xFFFFFF80  }
0x124: {  	_ =	swait.ge [sflag:s9], $0x80  }
0x125: {  	[sflag:s9] =	ssyncset.done $0x0  }
0x126: {  	[sflag:s9] =	ssyncadd.s32 $0xFFFFFF80  }
0x127: {  	_ =	swait.ge [sflag:s9], $0x80  }
0x128: {  	[sflag:s9] =	ssyncset.done $0x0  }
.Ltmp1:
0x129: {  	[sflag:s9] =	ssyncadd.s32 $0xFFFFFF80;
	(pc) =	sbr.rel @p0 .LBB2_4-.Ltmp1, $4  }
0x12a: {  	_ =	swait.ge [sflag:s9], $0x80  }
0x12b: {  	[sflag:s9] =	ssyncset.done $0x0  }
0x12c: {  	[sflag:s9] =	ssyncadd.s32 $0xFFFFFF80  }
0x12d: {  	_ =	swait.ge [sflag:s9], $0x80  }
0x12e: {  	[sflag:s9] =	ssyncset.done $0x0  }
0x12f: {  	[sflag:s9] =	ssyncadd.s32 $0xFFFFFF80  }
0x130: {  	_ =	swait.ge [sflag:s9], $0x80  }
0x131: {  	[sflag:s9] =	ssyncset.done $0x0  }
0x132: {  	[sflag:s9] =	ssyncadd.s32 $0xFFFFFF80  }
0x133: {  	_ =	swait.ge [sflag:s9], $0x80  }
0x134: {  	[sflag:s9] =	ssyncset.done $0x0  }
0x135: {  	[sflag:s9] =	ssyncadd.s32 $0xFFFFFF80  }
0x136: {  	_ =	swait.ge [sflag:s9], $0x80  }
0x137: {  	[sflag:s9] =	ssyncset.done $0x0  }
0x138: {  	[sflag:s9] =	ssyncadd.s32 $0xFFFFFF80  }
0x139: {  	_ =	swait.ge [sflag:s9], $0x80  }
0x13a: {  	[sflag:s9] =	ssyncset.done $0x0  }
0x13b: {  	[sflag:s9] =	ssyncadd.s32 $0xFFFFFF80  }
0x13c: {  	_ =	swait.ge [sflag:s9], $0x80  }
0x13d: {  	[sflag:s9] =	ssyncset.done $0x0  }
0x13e: {  	[sflag:s9] =	ssyncadd.s32 $0xFFFFFF80  }
0x13f: {  	_ =	swait.ge [sflag:s9], $0x80  }
0x140: {  	[sflag:s9] =	ssyncset.done $0x0  }
0x141: {  	[sflag:s9] =	ssyncadd.s32 $0xFFFFFF80  }
0x142: {  	_ =	swait.ge [sflag:s9], $0x80  }
0x143: {  	[sflag:s9] =	ssyncset.done $0x0  }
0x144: {  	[sflag:s9] =	ssyncadd.s32 $0xFFFFFF80  }
0x145: {  	_ =	swait.ge [sflag:s9], $0x80  }
0x146: {  	[sflag:s9] =	ssyncset.done $0x0  }
0x147: {  	[sflag:s9] =	ssyncadd.s32 $0xFFFFFF80  }
0x148: {  	_ =	swait.ge [sflag:s9], $0x80  }
0x149: {  	[sflag:s9] =	ssyncset.done $0x0  }
0x14a: {  	[sflag:s9] =	ssyncadd.s32 $0xFFFFFF80  }
0x14b: {  	_ =	swait.ge [sflag:s9], $0x80  }
0x14c: {  	[sflag:s9] =	ssyncset.done $0x0  }
0x14d: {  	[sflag:s9] =	ssyncadd.s32 $0xFFFFFF80  }
0x14e: {  	_ =	swait.ge [sflag:s9], $0x80  }
0x14f: {  	[sflag:s9] =	ssyncset.done $0x0  }
0x150: {  	[sflag:s9] =	ssyncadd.s32 $0xFFFFFF80  }
0x151: {  	_ =	swait.ge [sflag:s9], $0x80  }
0x152: {  	[sflag:s9] =	ssyncset.done $0x0  }
0x153: {  	[sflag:s9] =	ssyncadd.s32 $0xFFFFFF80  }
0x154: {  	_ =	swait.ge [sflag:s9], $0x80  }
0x155: {  	[sflag:s9] =	ssyncset.done $0x0  }
0x156: {  	[sflag:s9] =	ssyncadd.s32 $0xFFFFFF80  }
0x157: {  	_ =	swait.ge [sflag:s9], $0x80  }
0x158: {  	[sflag:s9] =	ssyncset.done $0x0  }
0x159: {  	[sflag:s9] =	ssyncadd.s32 $0xFFFFFF80  }
0x15a: {  	_ =	swait.ge [sflag:s9], $0x80  }
0x15b: {  	[sflag:s9] =	ssyncset.done $0x0  }
0x15c: {  	[sflag:s9] =	ssyncadd.s32 $0xFFFFFF80  }
0x15d: {  	_ =	swait.ge [sflag:s9], $0x80  }
0x15e: {  	[sflag:s9] =	ssyncset.done $0x0  }
0x15f: {  	[sflag:s9] =	ssyncadd.s32 $0xFFFFFF80  }
0x160: {  	_ =	swait.ge [sflag:s9], $0x80  }
0x161: {  	[sflag:s9] =	ssyncset.done $0x0  }
0x162: {  	[sflag:s9] =	ssyncadd.s32 $0xFFFFFF80  }
0x163: {  	_ =	swait.ge [sflag:s9], $0x80  }
0x164: {  	[sflag:s9] =	ssyncset.done $0x0  }
0x165: {  	[sflag:s9] =	ssyncadd.s32 $0xFFFFFF80  }
0x166: {  	_ =	swait.ge [sflag:s9], $0x80  }
0x167: {  	[sflag:s9] =	ssyncset.done $0x0  }
0x168: {  	[sflag:s9] =	ssyncadd.s32 $0xFFFFFF80  }
0x169: {  	_ =	swait.ge [sflag:s9], $0x80  }
0x16a: {  	[sflag:s9] =	ssyncset.done $0x0  }
0x16b: {  	[sflag:s9] =	ssyncadd.s32 $0xFFFFFF80  }
0x16c: {  	_ =	swait.ge [sflag:s9], $0x80  }
0x16d: {  	[sflag:s9] =	ssyncset.done $0x0  }
0x16e: {  	[sflag:s9] =	ssyncadd.s32 $0xFFFFFF80  }
0x16f: {  	_ =	swait.ge [sflag:s9], $0x80  }
0x170: {  	[sflag:s9] =	ssyncset.done $0x0  }
0x171: {  	[sflag:s9] =	ssyncadd.s32 $0xFFFFFF80  }
0x172: {  	_ =	swait.ge [sflag:s9], $0x80  }
0x173: {  	s12 =	simm.s32 $0x7;
	[sflag:s9] =	ssyncset.done $0x0  }
.LBB2_6:
0x174: {  	p0 =	sne.s32 s12, $0x1;
	s12 =	sadd.s32 $0xFFFFFFFF, s12;
	[sflag:s9] =	ssyncadd.s32 $0xFFFFFF80  }
0x175: {  	_ =	swait.ge [sflag:s9], $0x80  }
0x176: {  	[sflag:s9] =	ssyncset.done $0x0  }
0x177: {  	[sflag:s9] =	ssyncadd.s32 $0xFFFFFF80  }
0x178: {  	_ =	swait.ge [sflag:s9], $0x80  }
0x179: {  	[sflag:s9] =	ssyncset.done $0x0  }
0x17a: {  	[sflag:s9] =	ssyncadd.s32 $0xFFFFFF80  }
0x17b: {  	_ =	swait.ge [sflag:s9], $0x80  }
0x17c: {  	[sflag:s9] =	ssyncset.done $0x0  }
0x17d: {  	[sflag:s9] =	ssyncadd.s32 $0xFFFFFF80  }
0x17e: {  	_ =	swait.ge [sflag:s9], $0x80  }
0x17f: {  	[sflag:s9] =	ssyncset.done $0x0  }
0x180: {  	[sflag:s9] =	ssyncadd.s32 $0xFFFFFF80  }
0x181: {  	_ =	swait.ge [sflag:s9], $0x80  }
0x182: {  	[sflag:s9] =	ssyncset.done $0x0  }
0x183: {  	[sflag:s9] =	ssyncadd.s32 $0xFFFFFF80  }
0x184: {  	_ =	swait.ge [sflag:s9], $0x80  }
0x185: {  	[sflag:s9] =	ssyncset.done $0x0  }
0x186: {  	[sflag:s9] =	ssyncadd.s32 $0xFFFFFF80  }
0x187: {  	_ =	swait.ge [sflag:s9], $0x80  }
0x188: {  	[sflag:s9] =	ssyncset.done $0x0  }
0x189: {  	[sflag:s9] =	ssyncadd.s32 $0xFFFFFF80  }
0x18a: {  	_ =	swait.ge [sflag:s9], $0x80  }
0x18b: {  	[sflag:s9] =	ssyncset.done $0x0  }
0x18c: {  	[sflag:s9] =	ssyncadd.s32 $0xFFFFFF80  }
0x18d: {  	_ =	swait.ge [sflag:s9], $0x80  }
0x18e: {  	[sflag:s9] =	ssyncset.done $0x0  }
0x18f: {  	[sflag:s9] =	ssyncadd.s32 $0xFFFFFF80  }
0x190: {  	_ =	swait.ge [sflag:s9], $0x80  }
0x191: {  	[sflag:s9] =	ssyncset.done $0x0  }
0x192: {  	[sflag:s9] =	ssyncadd.s32 $0xFFFFFF80  }
0x193: {  	_ =	swait.ge [sflag:s9], $0x80  }
0x194: {  	[sflag:s9] =	ssyncset.done $0x0  }
0x195: {  	[sflag:s9] =	ssyncadd.s32 $0xFFFFFF80  }
0x196: {  	_ =	swait.ge [sflag:s9], $0x80  }
0x197: {  	[sflag:s9] =	ssyncset.done $0x0  }
0x198: {  	[sflag:s9] =	ssyncadd.s32 $0xFFFFFF80  }
0x199: {  	_ =	swait.ge [sflag:s9], $0x80  }
0x19a: {  	[sflag:s9] =	ssyncset.done $0x0  }
0x19b: {  	[sflag:s9] =	ssyncadd.s32 $0xFFFFFF80  }
0x19c: {  	_ =	swait.ge [sflag:s9], $0x80  }
0x19d: {  	[sflag:s9] =	ssyncset.done $0x0  }
0x19e: {  	[sflag:s9] =	ssyncadd.s32 $0xFFFFFF80  }
.Ltmp2:
0x19f: {  	_ =	swait.ge [sflag:s9], $0x80;
	(pc) =	sbr.rel @p0 .LBB2_6-.Ltmp2, $4  }
0x1a0: {  	[sflag:s9] =	ssyncset.done $0x0  }
0x1a1: {  	[sflag:s9] =	ssyncadd.s32 $0xFFFFFF80  }
0x1a2: {  	_ =	swait.ge [sflag:s9], $0x80  }
0x1a3: {  	[sflag:s9] =	ssyncset.done $0x0  }
0x1a4: {  	s11 =	sadd.s32 $0x1, s11  }
0x1a5: {  	p0 =	sne.s32 s11, s7  }
.Ltmp3:
0x1a6: {  	[sflag:s9] =	ssyncadd.s32 $0xFFFFFF80;
	s0 =	simm.s32 $0x400;
	(pc) =	sbr.rel @p0 .LBB2_1-.Ltmp3, $4  }
0x1a7: {  	[hbm4b:s6+s2] =	stream.linear.scatter [tilespmem:s0], [sflag:$0x2], $0x10000, $0x38;
	[tilespmem:$0x10400] =	vst v63  }
0x1a8: {  	_ =	swait.ge [sflag:s8], $0x10000  }
0x1a9: {  	[sflag:s8] =	ssyncset.done $0x0  }
0x1aa: {  	[sflag:s8] =	ssyncadd.s32 $0xFFFF0000  }
0x1ab: {  	_ =	sfence.sel $0x180000  }
0x1ac: {  	[bflag:$0x0] =	sbarrier.arrive $0xFFFF  }
0x1ad: {  	_ =	strace $0x90000047  }
0x1ae: {  	s0 =	stileid.u32;
	[bflag:$0x2] =	sbarrier.arrive $0xFFFF  }
0x1af: {  	p0 =	sne.s32 s0, $0x0;
	s0 =	rddreg [dreg:$0x3]  }
0x1b0: {  	s0 =	sadd.s32 @!p0 $0x100000, s0  }
0x1b1: {  	[sflag:s0] =	ssyncadd.tile.s32 @!p0 $0x1;
	_ =	shalt  }
.Lfunc_end2:
_tile_overlayer_lowered:
.L_overlay_start_2:
0x1b2: {  	(tag) =	ssettag $0x2  }
0x1b3: {  	s0 =	rddreg [dreg:$0x0];
	s2 =	stileid.u32  }
0x1b4: {  	s1 =	rddreg [dreg:$0x1];
	p0 =	sne.s32 s2, $0x0  }
0x1b5: {  	s3 =	rddreg [dreg:$0x2];
	[bflag:$0x3] =	sbarrier.arrive $0xFFFF;
	s2 =	simm.s32 @!p0 $0x1C02  }
0x1b6: {  	[timem:s3], [sflag:s2] =	dma.local @!p0 [hbm:s0], s1  }
0x1b7: {  	s0 =	simm.s32 @!p0 $0x2  }
0x1b8: {  	_ =	swait.ge @!p0 [sflag:s0], s1  }
0x1b9: {  	s1 =	ssub.s32 @!p0 $0x0, s1;
	[sflag:s0] =	ssyncset.done @!p0 $0x0  }
0x1ba: {  	[sflag:s0] =	ssyncadd.s32 @!p0 s1  }
0x1bb: {  	[bflag:$0x3] =	sbarrier.arrive $0xFFFF  }
0x1bc: {  	_ =	shalt  }

</sc_bundles>
